<compile_context>
chip_gen: v7x
topology: tpu7x:2x2x1
jax: 0.10.2.dev20260603
libtpu: 0.0.44.dev20260713+nightly
codegen_flags: <defaults>
</compile_context>

<pallas_src>
import functools

import jax
import jax.numpy as jnp
from jax import lax
from jax.experimental import pallas as pl
from jax.experimental.pallas import tpu as pltpu
from jax.experimental.pallas import tpu_sc as plsc

B = 1024
L = 50
V = 100000

NC = 2
NS = 16
NW = NC * NS
RPW = B // NW
IPW = RPW * L
GCHUNK = 128

BB = 1024
NB = B // BB
VC = 1024
NV = -(-V // VC)
VPAD = NV * VC - V
NEG = -1e30


def _sc_gathers(feat_flat, focal, emb_flat, linw_flat, linb):
    mesh = plsc.VectorSubcoreMesh(core_axis_name="c", subcore_axis_name="s")

    @functools.partial(
        pl.kernel,
        mesh=mesh,
        out_type=[jax.ShapeDtypeStruct((B,), jnp.float32)] * 3,
        scratch_types=[
            pltpu.VMEM((IPW,), jnp.int32),
            pltpu.VMEM((IPW,), jnp.float32),
            pltpu.VMEM((RPW,), jnp.int32),
            pltpu.VMEM((RPW,), jnp.float32),
            pltpu.VMEM((RPW,), jnp.float32),
            pltpu.VMEM((RPW,), jnp.float32),
            pltpu.SemaphoreType.DMA,
        ],
    )
    def sc_k(feat_hbm, focal_hbm, emb_hbm, linw_hbm, linb_hbm,
             bag_out, wf_out, bf_out,
             idx_v, vals_v, fidx_v, bag_v, wf_v, bf_v, sem):
        wid = lax.axis_index("s") * NC + lax.axis_index("c")
        base = wid * RPW

        pltpu.sync_copy(feat_hbm.at[pl.ds(base * L, IPW)], idx_v)
        copies = []
        for c in range(0, IPW, GCHUNK):
            n = min(GCHUNK, IPW - c)
            copies.append(pltpu.async_copy(
                emb_hbm.at[idx_v.at[pl.ds(c, n)]], vals_v.at[pl.ds(c, n)], sem))
        pltpu.sync_copy(focal_hbm.at[pl.ds(base, RPW)], fidx_v)
        copies.append(pltpu.async_copy(linw_hbm.at[fidx_v], wf_v, sem))
        copies.append(pltpu.async_copy(linb_hbm.at[fidx_v], bf_v, sem))
        for cp in copies:
            cp.wait()

        for g in range(RPW // 16):
            acc = jnp.zeros((16,), jnp.float32)
            for j in range(L):
                acc = acc + vals_v[pl.ds(j * RPW + g * 16, 16)]
            bag_v[pl.ds(g * 16, 16)] = acc

        pltpu.sync_copy(bag_v, bag_out.at[pl.ds(base, RPW)])
        pltpu.sync_copy(wf_v, wf_out.at[pl.ds(base, RPW)])
        pltpu.sync_copy(bf_v, bf_out.at[pl.ds(base, RPW)])

    return sc_k(feat_flat, focal, emb_flat, linw_flat, linb)


LOG2E = 1.4426950408889634
LN2 = 0.6931471805599453
BIG = 3.0e38


def _tc_prologue(w3, b3):

    def body(w_ref, b_ref, bt_ref, st_ref):
        j = pl.program_id(0)
        w = w_ref[...]
        bt = b_ref[...] * LOG2E
        bt_ref[...] = bt
        pos = j * VC + lax.broadcasted_iota(jnp.int32, (1, 1, VC), 2)
        valid = pos < V
        wmax = jnp.max(jnp.where(valid, w, -BIG))
        wmin = jnp.min(jnp.where(valid, w, BIG))
        cmax = jnp.max(jnp.where(valid, bt, -BIG))
        first = j == 0
        st_ref[0] = jnp.maximum(jnp.where(first, -BIG, st_ref[0]), wmax)
        st_ref[1] = jnp.minimum(jnp.where(first, BIG, st_ref[1]), wmin)
        st_ref[2] = jnp.maximum(jnp.where(first, -BIG, st_ref[2]), cmax)

    return pl.pallas_call(
        body,
        grid=(NV,),
        in_specs=[
            pl.BlockSpec((1, 1, VC), lambda j: (j, 0, 0)),
            pl.BlockSpec((1, 1, VC), lambda j: (j, 0, 0)),
        ],
        out_specs=[
            pl.BlockSpec((1, 1, VC), lambda j: (j, 0, 0)),
            pl.BlockSpec(memory_space=pltpu.SMEM),
        ],
        out_shape=[
            jax.ShapeDtypeStruct((NV, 1, VC), jnp.float32),
            jax.ShapeDtypeStruct((3,), jnp.float32),
        ],
    )(w3, b3)


def _tc_loss(bag2d, wf2d, bf2d, w3, bt3, stats):

    def body(st_ref, bag_ref, wf_ref, bf_ref, w_ref, bt_ref, out_ref,
             bs_ref, acc_ref):
        i = pl.program_id(0)
        bag = bag_ref[...]
        at = bag * LOG2E
        mh = jnp.maximum(at * st_ref[0], at * st_ref[1]) + st_ref[2]
        m_blk = jnp.max(mh)

        def shift(j, _):
            bs_ref[j] = bt_ref[j] - m_blk
            return 0

        lax.fori_loop(0, NV, shift, 0)

        def vstep(j, acc):
            p = jnp.exp2(at * w_ref[j] + bs_ref[j])
            for k in range(VC // 128):
                acc = acc + p[:, k * 128:(k + 1) * 128]
            return acc

        acc = lax.fori_loop(0, NV, vstep, jnp.zeros((BB, 128), jnp.float32))
        s = jnp.sum(acc, axis=1, keepdims=True)
        lse = LN2 * m_blk + jnp.log(s)
        nll = lse - (bag * wf_ref[...] + bf_ref[...])
        part = jnp.sum(nll)
        tot = jnp.where(i == 0, 0.0, acc_ref[0]) + part
        acc_ref[0] = tot

        @pl.when(i == NB - 1)
        def _():
            out_ref[0] = tot / B

    return pl.pallas_call(
        body,
        grid=(NB,),
        in_specs=[
            pl.BlockSpec(memory_space=pltpu.SMEM),
            pl.BlockSpec((BB, 1), lambda i: (i, 0)),
            pl.BlockSpec((BB, 1), lambda i: (i, 0)),
            pl.BlockSpec((BB, 1), lambda i: (i, 0)),
            pl.BlockSpec((NV, 1, VC), lambda i: (0, 0, 0)),
            pl.BlockSpec((NV, 1, VC), lambda i: (0, 0, 0)),
        ],
        out_specs=pl.BlockSpec(memory_space=pltpu.SMEM),
        out_shape=jax.ShapeDtypeStruct((1,), jnp.float32),
        scratch_shapes=[
            pltpu.VMEM((NV, 1, VC), jnp.float32),
            pltpu.SMEM((1,), jnp.float32),
        ],
    )(stats, bag2d, wf2d, bf2d, w3, bt3)


def kernel(focal_ids, features_ids, emb_weight, lin_weight, lin_bias):
    feat_flat = (features_ids.reshape(NW, RPW, L).transpose(0, 2, 1)
                 .reshape(-1).astype(jnp.int32))
    focal = focal_ids.astype(jnp.int32)
    emb_flat = emb_weight.reshape(-1).astype(jnp.float32)
    linw_flat = lin_weight.reshape(-1).astype(jnp.float32)
    linb = lin_bias.astype(jnp.float32)

    bag, wf, bf = _sc_gathers(feat_flat, focal, emb_flat, linw_flat, linb)

    w3 = jnp.concatenate(
        [linw_flat, jnp.zeros((VPAD,), jnp.float32)]).reshape(NV, 1, VC)
    b3 = jnp.concatenate(
        [linb, jnp.full((VPAD,), NEG, jnp.float32)]).reshape(NV, 1, VC)

    bt3, stats = _tc_prologue(w3, b3)
    out = _tc_loss(bag.reshape(B, 1), wf.reshape(B, 1), bf.reshape(B, 1),
                   w3, bt3, stats)
    return out[0]

# --- scband reference (transcript-rebuilt; emitter-appended) ---
"""Pipeline reference for scband-positional-embedding-63007170232447 (READ-ONLY COPY).

The authoritative reference and input builder live on the scoring server;
editing this copy changes nothing except your own understanding.
"""

import jax, jax.numpy as jnp
import numpy as np

B, L, V = 1024, 50, 100000

def setup_inputs(seed: int = 0) -> dict:
    key = jax.random.key(seed)
    k1, k2, k3, k4 = jax.random.split(key, 4)
    features_ids = jax.random.randint(k1, (B, L), 0, V)
    focal_ids = jax.random.randint(k2, (B,), 0, V)
    # EmbeddingBag(num_entities, 1, mode='sum') weight: [V, 1]
    emb_weight = jax.random.normal(k3, (V, 1), dtype=jnp.float32) * 0.02
    # Linear(1, num_entities): weight [V, 1], bias [V]
    lin_weight = jax.random.normal(k4, (V, 1), dtype=jnp.float32) * 0.02
    lin_bias = jnp.zeros((V,), dtype=jnp.float32)
    return {"focal_ids": focal_ids, "features_ids": features_ids,
            "emb_weight": emb_weight, "lin_weight": lin_weight, "lin_bias": lin_bias}

def reference(focal_ids, features_ids, emb_weight, lin_weight, lin_bias):
    # EmbeddingBag mode='sum': gather rows, sum over bag dimension -> [B, 1]
    bag = jnp.take(emb_weight, features_ids, axis=0).sum(axis=1)
    # Linear(1, V): out = bag @ W.T + b -> [B, V]
    logits = bag @ lin_weight.T + lin_bias
    # CrossEntropyLoss (mean reduction)
    logp = jax.nn.log_softmax(logits, axis=-1)
    nll = -jnp.take_along_axis(logp, focal_ids[:, None], axis=1)[:, 0]
    loss = jnp.mean(nll)
    # regularization_type=None, regularization_weight=0 -> loss += 0
    return loss

if __name__ == "__main__":
    import jax
    _d = setup_inputs()
    print(jax.jit(kernel)(*tuple(_d.values())))

</pallas_src>

<mosaic_0001>
#map = affine_map<(d0, d1) -> (0)>
module attributes {stable_mosaic.version = 14 : i64} {
  func.func @sc_k(%arg0: i32, %arg1: i32, %arg2: memref<51200xi32, #tpu.memory_space<hbm>>, %arg3: memref<1024xi32, #tpu.memory_space<hbm>>, %arg4: memref<100000xf32, #tpu.memory_space<hbm>>, %arg5: memref<100000xf32, #tpu.memory_space<hbm>>, %arg6: memref<100000xf32, #tpu.memory_space<hbm>>, %arg7: memref<1024xf32, #tpu.memory_space<hbm>>, %arg8: memref<1024xf32, #tpu.memory_space<hbm>>, %arg9: memref<1024xf32, #tpu.memory_space<hbm>>, %arg10: memref<1600xi32, #tpu.memory_space<vmem>>, %arg11: memref<1600xf32, #tpu.memory_space<vmem>>, %arg12: memref<32xi32, #tpu.memory_space<vmem>>, %arg13: memref<32xf32, #tpu.memory_space<vmem>>, %arg14: memref<32xf32, #tpu.memory_space<vmem>>, %arg15: memref<32xf32, #tpu.memory_space<vmem>>, %arg16: memref<!tpu.dma_semaphore, #tpu.memory_space<semaphore_mem>>) attributes {dimension_semantics = [#tpu.dimension_semantics<core_parallel>, #tpu.dimension_semantics<subcore_parallel>], iteration_bounds = array<i64: 2, 16>, scalar_prefetch = 0 : i64, scratch_operands = 7 : i64, tpu.core_type = #tpu.core_type<sc_vector_subcore>, window_params = [{transform_indices = #map}, {transform_indices = #map}, {transform_indices = #map}, {transform_indices = #map}, {transform_indices = #map}, {transform_indices = #map}, {transform_indices = #map}, {transform_indices = #map}]} {
    %mul3A = arith.constant 2 : i32
    %mul3A_0 = arith.muli %arg1, %mul3A : i32
    %add3A = arith.addi %mul3A_0, %arg0 : i32
    %mul3A_1 = arith.constant 32 : i32
    %mul3A_2 = arith.muli %add3A, %mul3A_1 : i32
    %mul3A_3 = arith.constant 50 : i32
    %mul3A_4 = arith.muli %mul3A_2, %mul3A_3 : i32
    "tpu.region"() ({
      %run_scoped3A = tpu.sem_alloc : memref<!tpu.dma_semaphore, #tpu.memory_space<semaphore_mem>>
      %dma_start3A_576 = tpu.memref_slice %arg2[%mul3A_4] : memref<51200xi32, #tpu.memory_space<hbm>> -> memref<1600xi32, #tpu.memory_space<hbm>>
      %dma_start3A_577 = tpu.memref_slice %arg2[%mul3A_4] : memref<51200xi32, #tpu.memory_space<hbm>> -> memref<1600xi32, #tpu.memory_space<hbm>>
      tpu.enqueue_dma source(%dma_start3A_577 : memref<1600xi32, #tpu.memory_space<hbm>>) target(%arg10 : memref<1600xi32, #tpu.memory_space<vmem>>) target_semaphore(%run_scoped3A : memref<!tpu.dma_semaphore, #tpu.memory_space<semaphore_mem>>)
      %dma_wait3A_578 = tpu.memref_slice %arg2[%mul3A_4] : memref<51200xi32, #tpu.memory_space<hbm>> -> memref<1600xi32, #tpu.memory_space<hbm>>
      %dma_wait3A_579 = tpu.memref_slice %arg2[%mul3A_4] : memref<51200xi32, #tpu.memory_space<hbm>> -> memref<1600xi32, #tpu.memory_space<hbm>>
      tpu.wait_dma2 semaphore(%run_scoped3A : memref<!tpu.dma_semaphore, #tpu.memory_space<semaphore_mem>>) src(%dma_wait3A_579 : memref<1600xi32, #tpu.memory_space<hbm>>) dst(%arg10 : memref<1600xi32, #tpu.memory_space<vmem>>)
      tpu.yield
    }) : () -> ()
    %dma_start3A = arith.constant 0 : i32
    %dma_start3A_5 = tpu.memref_slice %arg11[%dma_start3A] : memref<1600xf32, #tpu.memory_space<vmem>> -> memref<128xf32, #tpu.memory_space<vmem>>
    %dma_start3A_6 = arith.constant 0 : i32
    %dma_start3A_7 = tpu.memref_slice %arg10[%dma_start3A_6] : memref<1600xi32, #tpu.memory_space<vmem>> -> memref<128xi32, #tpu.memory_space<vmem>>
    %dma_start3A_8 = arith.constant 0 : i32
    %dma_start3A_9 = tpu.memref_slice %arg4[%dma_start3A_8] : memref<100000xf32, #tpu.memory_space<hbm>> -> memref<100000xf32, #tpu.memory_space<hbm>>
    tpu.enqueue_indirect_dma source(%dma_start3A_9 : memref<100000xf32, #tpu.memory_space<hbm>>) target(%dma_start3A_5 : memref<128xf32, #tpu.memory_space<vmem>>) offsets(%dma_start3A_7 : memref<128xi32, #tpu.memory_space<vmem>>) semaphore(%arg16 : memref<!tpu.dma_semaphore, #tpu.memory_space<semaphore_mem>>)
    %dma_start3A_10 = arith.constant 128 : i32
    %dma_start3A_11 = tpu.memref_slice %arg11[%dma_start3A_10] : memref<1600xf32, #tpu.memory_space<vmem>> -> memref<128xf32, #tpu.memory_space<vmem>>
    %dma_start3A_12 = arith.constant 128 : i32
    %dma_start3A_13 = tpu.memref_slice %arg10[%dma_start3A_12] : memref<1600xi32, #tpu.memory_space<vmem>> -> memref<128xi32, #tpu.memory_space<vmem>>
    %dma_start3A_14 = arith.constant 0 : i32
    %dma_start3A_15 = tpu.memref_slice %arg4[%dma_start3A_14] : memref<100000xf32, #tpu.memory_space<hbm>> -> memref<100000xf32, #tpu.memory_space<hbm>>
    tpu.enqueue_indirect_dma source(%dma_start3A_15 : memref<100000xf32, #tpu.memory_space<hbm>>) target(%dma_start3A_11 : memref<128xf32, #tpu.memory_space<vmem>>) offsets(%dma_start3A_13 : memref<128xi32, #tpu.memory_space<vmem>>) semaphore(%arg16 : memref<!tpu.dma_semaphore, #tpu.memory_space<semaphore_mem>>)
    %dma_start3A_16 = arith.constant 256 : i32
    %dma_start3A_17 = tpu.memref_slice %arg11[%dma_start3A_16] : memref<1600xf32, #tpu.memory_space<vmem>> -> memref<128xf32, #tpu.memory_space<vmem>>
    %dma_start3A_18 = arith.constant 256 : i32
    %dma_start3A_19 = tpu.memref_slice %arg10[%dma_start3A_18] : memref<1600xi32, #tpu.memory_space<vmem>> -> memref<128xi32, #tpu.memory_space<vmem>>
    %dma_start3A_20 = arith.constant 0 : i32
    %dma_start3A_21 = tpu.memref_slice %arg4[%dma_start3A_20] : memref<100000xf32, #tpu.memory_space<hbm>> -> memref<100000xf32, #tpu.memory_space<hbm>>
    tpu.enqueue_indirect_dma source(%dma_start3A_21 : memref<100000xf32, #tpu.memory_space<hbm>>) target(%dma_start3A_17 : memref<128xf32, #tpu.memory_space<vmem>>) offsets(%dma_start3A_19 : memref<128xi32, #tpu.memory_space<vmem>>) semaphore(%arg16 : memref<!tpu.dma_semaphore, #tpu.memory_space<semaphore_mem>>)
    %dma_start3A_22 = arith.constant 384 : i32
    %dma_start3A_23 = tpu.memref_slice %arg11[%dma_start3A_22] : memref<1600xf32, #tpu.memory_space<vmem>> -> memref<128xf32, #tpu.memory_space<vmem>>
    %dma_start3A_24 = arith.constant 384 : i32
    %dma_start3A_25 = tpu.memref_slice %arg10[%dma_start3A_24] : memref<1600xi32, #tpu.memory_space<vmem>> -> memref<128xi32, #tpu.memory_space<vmem>>
    %dma_start3A_26 = arith.constant 0 : i32
    %dma_start3A_27 = tpu.memref_slice %arg4[%dma_start3A_26] : memref<100000xf32, #tpu.memory_space<hbm>> -> memref<100000xf32, #tpu.memory_space<hbm>>
    tpu.enqueue_indirect_dma source(%dma_start3A_27 : memref<100000xf32, #tpu.memory_space<hbm>>) target(%dma_start3A_23 : memref<128xf32, #tpu.memory_space<vmem>>) offsets(%dma_start3A_25 : memref<128xi32, #tpu.memory_space<vmem>>) semaphore(%arg16 : memref<!tpu.dma_semaphore, #tpu.memory_space<semaphore_mem>>)
    %dma_start3A_28 = arith.constant 512 : i32
    %dma_start3A_29 = tpu.memref_slice %arg11[%dma_start3A_28] : memref<1600xf32, #tpu.memory_space<vmem>> -> memref<128xf32, #tpu.memory_space<vmem>>
    %dma_start3A_30 = arith.constant 512 : i32
    %dma_start3A_31 = tpu.memref_slice %arg10[%dma_start3A_30] : memref<1600xi32, #tpu.memory_space<vmem>> -> memref<128xi32, #tpu.memory_space<vmem>>
    %dma_start3A_32 = arith.constant 0 : i32
    %dma_start3A_33 = tpu.memref_slice %arg4[%dma_start3A_32] : memref<100000xf32, #tpu.memory_space<hbm>> -> memref<100000xf32, #tpu.memory_space<hbm>>
    tpu.enqueue_indirect_dma source(%dma_start3A_33 : memref<100000xf32, #tpu.memory_space<hbm>>) target(%dma_start3A_29 : memref<128xf32, #tpu.memory_space<vmem>>) offsets(%dma_start3A_31 : memref<128xi32, #tpu.memory_space<vmem>>) semaphore(%arg16 : memref<!tpu.dma_semaphore, #tpu.memory_space<semaphore_mem>>)
    %dma_start3A_34 = arith.constant 640 : i32
    %dma_start3A_35 = tpu.memref_slice %arg11[%dma_start3A_34] : memref<1600xf32, #tpu.memory_space<vmem>> -> memref<128xf32, #tpu.memory_space<vmem>>
    %dma_start3A_36 = arith.constant 640 : i32
    %dma_start3A_37 = tpu.memref_slice %arg10[%dma_start3A_36] : memref<1600xi32, #tpu.memory_space<vmem>> -> memref<128xi32, #tpu.memory_space<vmem>>
    %dma_start3A_38 = arith.constant 0 : i32
    %dma_start3A_39 = tpu.memref_slice %arg4[%dma_start3A_38] : memref<100000xf32, #tpu.memory_space<hbm>> -> memref<100000xf32, #tpu.memory_space<hbm>>
    tpu.enqueue_indirect_dma source(%dma_start3A_39 : memref<100000xf32, #tpu.memory_space<hbm>>) target(%dma_start3A_35 : memref<128xf32, #tpu.memory_space<vmem>>) offsets(%dma_start3A_37 : memref<128xi32, #tpu.memory_space<vmem>>) semaphore(%arg16 : memref<!tpu.dma_semaphore, #tpu.memory_space<semaphore_mem>>)
    %dma_start3A_40 = arith.constant 768 : i32
    %dma_start3A_41 = tpu.memref_slice %arg11[%dma_start3A_40] : memref<1600xf32, #tpu.memory_space<vmem>> -> memref<128xf32, #tpu.memory_space<vmem>>
    %dma_start3A_42 = arith.constant 768 : i32
    %dma_start3A_43 = tpu.memref_slice %arg10[%dma_start3A_42] : memref<1600xi32, #tpu.memory_space<vmem>> -> memref<128xi32, #tpu.memory_space<vmem>>
    %dma_start3A_44 = arith.constant 0 : i32
    %dma_start3A_45 = tpu.memref_slice %arg4[%dma_start3A_44] : memref<100000xf32, #tpu.memory_space<hbm>> -> memref<100000xf32, #tpu.memory_space<hbm>>
    tpu.enqueue_indirect_dma source(%dma_start3A_45 : memref<100000xf32, #tpu.memory_space<hbm>>) target(%dma_start3A_41 : memref<128xf32, #tpu.memory_space<vmem>>) offsets(%dma_start3A_43 : memref<128xi32, #tpu.memory_space<vmem>>) semaphore(%arg16 : memref<!tpu.dma_semaphore, #tpu.memory_space<semaphore_mem>>)
    %dma_start3A_46 = arith.constant 896 : i32
    %dma_start3A_47 = tpu.memref_slice %arg11[%dma_start3A_46] : memref<1600xf32, #tpu.memory_space<vmem>> -> memref<128xf32, #tpu.memory_space<vmem>>
    %dma_start3A_48 = arith.constant 896 : i32
    %dma_start3A_49 = tpu.memref_slice %arg10[%dma_start3A_48] : memref<1600xi32, #tpu.memory_space<vmem>> -> memref<128xi32, #tpu.memory_space<vmem>>
    %dma_start3A_50 = arith.constant 0 : i32
    %dma_start3A_51 = tpu.memref_slice %arg4[%dma_start3A_50] : memref<100000xf32, #tpu.memory_space<hbm>> -> memref<100000xf32, #tpu.memory_space<hbm>>
    tpu.enqueue_indirect_dma source(%dma_start3A_51 : memref<100000xf32, #tpu.memory_space<hbm>>) target(%dma_start3A_47 : memref<128xf32, #tpu.memory_space<vmem>>) offsets(%dma_start3A_49 : memref<128xi32, #tpu.memory_space<vmem>>) semaphore(%arg16 : memref<!tpu.dma_semaphore, #tpu.memory_space<semaphore_mem>>)
    %dma_start3A_52 = arith.constant 1024 : i32
    %dma_start3A_53 = tpu.memref_slice %arg11[%dma_start3A_52] : memref<1600xf32, #tpu.memory_space<vmem>> -> memref<128xf32, #tpu.memory_space<vmem>>
    %dma_start3A_54 = arith.constant 1024 : i32
    %dma_start3A_55 = tpu.memref_slice %arg10[%dma_start3A_54] : memref<1600xi32, #tpu.memory_space<vmem>> -> memref<128xi32, #tpu.memory_space<vmem>>
    %dma_start3A_56 = arith.constant 0 : i32
    %dma_start3A_57 = tpu.memref_slice %arg4[%dma_start3A_56] : memref<100000xf32, #tpu.memory_space<hbm>> -> memref<100000xf32, #tpu.memory_space<hbm>>
    tpu.enqueue_indirect_dma source(%dma_start3A_57 : memref<100000xf32, #tpu.memory_space<hbm>>) target(%dma_start3A_53 : memref<128xf32, #tpu.memory_space<vmem>>) offsets(%dma_start3A_55 : memref<128xi32, #tpu.memory_space<vmem>>) semaphore(%arg16 : memref<!tpu.dma_semaphore, #tpu.memory_space<semaphore_mem>>)
    %dma_start3A_58 = arith.constant 1152 : i32
    %dma_start3A_59 = tpu.memref_slice %arg11[%dma_start3A_58] : memref<1600xf32, #tpu.memory_space<vmem>> -> memref<128xf32, #tpu.memory_space<vmem>>
    %dma_start3A_60 = arith.constant 1152 : i32
    %dma_start3A_61 = tpu.memref_slice %arg10[%dma_start3A_60] : memref<1600xi32, #tpu.memory_space<vmem>> -> memref<128xi32, #tpu.memory_space<vmem>>
    %dma_start3A_62 = arith.constant 0 : i32
    %dma_start3A_63 = tpu.memref_slice %arg4[%dma_start3A_62] : memref<100000xf32, #tpu.memory_space<hbm>> -> memref<100000xf32, #tpu.memory_space<hbm>>
    tpu.enqueue_indirect_dma source(%dma_start3A_63 : memref<100000xf32, #tpu.memory_space<hbm>>) target(%dma_start3A_59 : memref<128xf32, #tpu.memory_space<vmem>>) offsets(%dma_start3A_61 : memref<128xi32, #tpu.memory_space<vmem>>) semaphore(%arg16 : memref<!tpu.dma_semaphore, #tpu.memory_space<semaphore_mem>>)
    %dma_start3A_64 = arith.constant 1280 : i32
    %dma_start3A_65 = tpu.memref_slice %arg11[%dma_start3A_64] : memref<1600xf32, #tpu.memory_space<vmem>> -> memref<128xf32, #tpu.memory_space<vmem>>
    %dma_start3A_66 = arith.constant 1280 : i32
    %dma_start3A_67 = tpu.memref_slice %arg10[%dma_start3A_66] : memref<1600xi32, #tpu.memory_space<vmem>> -> memref<128xi32, #tpu.memory_space<vmem>>
    %dma_start3A_68 = arith.constant 0 : i32
    %dma_start3A_69 = tpu.memref_slice %arg4[%dma_start3A_68] : memref<100000xf32, #tpu.memory_space<hbm>> -> memref<100000xf32, #tpu.memory_space<hbm>>
    tpu.enqueue_indirect_dma source(%dma_start3A_69 : memref<100000xf32, #tpu.memory_space<hbm>>) target(%dma_start3A_65 : memref<128xf32, #tpu.memory_space<vmem>>) offsets(%dma_start3A_67 : memref<128xi32, #tpu.memory_space<vmem>>) semaphore(%arg16 : memref<!tpu.dma_semaphore, #tpu.memory_space<semaphore_mem>>)
    %dma_start3A_70 = arith.constant 1408 : i32
    %dma_start3A_71 = tpu.memref_slice %arg11[%dma_start3A_70] : memref<1600xf32, #tpu.memory_space<vmem>> -> memref<128xf32, #tpu.memory_space<vmem>>
    %dma_start3A_72 = arith.constant 1408 : i32
    %dma_start3A_73 = tpu.memref_slice %arg10[%dma_start3A_72] : memref<1600xi32, #tpu.memory_space<vmem>> -> memref<128xi32, #tpu.memory_space<vmem>>
    %dma_start3A_74 = arith.constant 0 : i32
    %dma_start3A_75 = tpu.memref_slice %arg4[%dma_start3A_74] : memref<100000xf32, #tpu.memory_space<hbm>> -> memref<100000xf32, #tpu.memory_space<hbm>>
    tpu.enqueue_indirect_dma source(%dma_start3A_75 : memref<100000xf32, #tpu.memory_space<hbm>>) target(%dma_start3A_71 : memref<128xf32, #tpu.memory_space<vmem>>) offsets(%dma_start3A_73 : memref<128xi32, #tpu.memory_space<vmem>>) semaphore(%arg16 : memref<!tpu.dma_semaphore, #tpu.memory_space<semaphore_mem>>)
    %dma_start3A_76 = arith.constant 1536 : i32
    %dma_start3A_77 = tpu.memref_slice %arg11[%dma_start3A_76] : memref<1600xf32, #tpu.memory_space<vmem>> -> memref<64xf32, #tpu.memory_space<vmem>>
    %dma_start3A_78 = arith.constant 1536 : i32
    %dma_start3A_79 = tpu.memref_slice %arg10[%dma_start3A_78] : memref<1600xi32, #tpu.memory_space<vmem>> -> memref<64xi32, #tpu.memory_space<vmem>>
    %dma_start3A_80 = arith.constant 0 : i32
    %dma_start3A_81 = tpu.memref_slice %arg4[%dma_start3A_80] : memref<100000xf32, #tpu.memory_space<hbm>> -> memref<100000xf32, #tpu.memory_space<hbm>>
    tpu.enqueue_indirect_dma source(%dma_start3A_81 : memref<100000xf32, #tpu.memory_space<hbm>>) target(%dma_start3A_77 : memref<64xf32, #tpu.memory_space<vmem>>) offsets(%dma_start3A_79 : memref<64xi32, #tpu.memory_space<vmem>>) semaphore(%arg16 : memref<!tpu.dma_semaphore, #tpu.memory_space<semaphore_mem>>)
    "tpu.region"() ({
      %run_scoped3A = tpu.sem_alloc : memref<!tpu.dma_semaphore, #tpu.memory_space<semaphore_mem>>
      %dma_start3A_576 = tpu.memref_slice %arg3[%mul3A_2] : memref<1024xi32, #tpu.memory_space<hbm>> -> memref<32xi32, #tpu.memory_space<hbm>>
      %dma_start3A_577 = tpu.memref_slice %arg3[%mul3A_2] : memref<1024xi32, #tpu.memory_space<hbm>> -> memref<32xi32, #tpu.memory_space<hbm>>
      tpu.enqueue_dma source(%dma_start3A_577 : memref<32xi32, #tpu.memory_space<hbm>>) target(%arg12 : memref<32xi32, #tpu.memory_space<vmem>>) target_semaphore(%run_scoped3A : memref<!tpu.dma_semaphore, #tpu.memory_space<semaphore_mem>>)
      %dma_wait3A_578 = tpu.memref_slice %arg3[%mul3A_2] : memref<1024xi32, #tpu.memory_space<hbm>> -> memref<32xi32, #tpu.memory_space<hbm>>
      %dma_wait3A_579 = tpu.memref_slice %arg3[%mul3A_2] : memref<1024xi32, #tpu.memory_space<hbm>> -> memref<32xi32, #tpu.memory_space<hbm>>
      tpu.wait_dma2 semaphore(%run_scoped3A : memref<!tpu.dma_semaphore, #tpu.memory_space<semaphore_mem>>) src(%dma_wait3A_579 : memref<32xi32, #tpu.memory_space<hbm>>) dst(%arg12 : memref<32xi32, #tpu.memory_space<vmem>>)
      tpu.yield
    }) : () -> ()
    %dma_start3A_82 = arith.constant 0 : i32
    %dma_start3A_83 = tpu.memref_slice %arg5[%dma_start3A_82] : memref<100000xf32, #tpu.memory_space<hbm>> -> memref<100000xf32, #tpu.memory_space<hbm>>
    tpu.enqueue_indirect_dma source(%dma_start3A_83 : memref<100000xf32, #tpu.memory_space<hbm>>) target(%arg14 : memref<32xf32, #tpu.memory_space<vmem>>) offsets(%arg12 : memref<32xi32, #tpu.memory_space<vmem>>) semaphore(%arg16 : memref<!tpu.dma_semaphore, #tpu.memory_space<semaphore_mem>>)
    %dma_start3A_84 = arith.constant 0 : i32
    %dma_start3A_85 = tpu.memref_slice %arg6[%dma_start3A_84] : memref<100000xf32, #tpu.memory_space<hbm>> -> memref<100000xf32, #tpu.memory_space<hbm>>
    tpu.enqueue_indirect_dma source(%dma_start3A_85 : memref<100000xf32, #tpu.memory_space<hbm>>) target(%arg15 : memref<32xf32, #tpu.memory_space<vmem>>) offsets(%arg12 : memref<32xi32, #tpu.memory_space<vmem>>) semaphore(%arg16 : memref<!tpu.dma_semaphore, #tpu.memory_space<semaphore_mem>>)
    %dma_wait3A = arith.constant 0 : i32
    %dma_wait3A_86 = tpu.memref_slice %arg11[%dma_wait3A] : memref<1600xf32, #tpu.memory_space<vmem>> -> memref<128xf32, #tpu.memory_space<vmem>>
    %dma_wait3A_87 = arith.constant 0 : i32
    %dma_wait3A_88 = tpu.memref_slice %arg10[%dma_wait3A_87] : memref<1600xi32, #tpu.memory_space<vmem>> -> memref<128xi32, #tpu.memory_space<vmem>>
    %dma_wait3A_89 = arith.constant 0 : i32
    %dma_wait3A_90 = tpu.memref_slice %arg4[%dma_wait3A_89] : memref<100000xf32, #tpu.memory_space<hbm>> -> memref<100000xf32, #tpu.memory_space<hbm>>
    tpu.wait_indirect_dma semaphore(%arg16 : memref<!tpu.dma_semaphore, #tpu.memory_space<semaphore_mem>>) src(%dma_wait3A_90 : memref<100000xf32, #tpu.memory_space<hbm>>) dst(%dma_wait3A_86 : memref<128xf32, #tpu.memory_space<vmem>>)
    %dma_wait3A_91 = arith.constant 128 : i32
    %dma_wait3A_92 = tpu.memref_slice %arg11[%dma_wait3A_91] : memref<1600xf32, #tpu.memory_space<vmem>> -> memref<128xf32, #tpu.memory_space<vmem>>
    %dma_wait3A_93 = arith.constant 128 : i32
    %dma_wait3A_94 = tpu.memref_slice %arg10[%dma_wait3A_93] : memref<1600xi32, #tpu.memory_space<vmem>> -> memref<128xi32, #tpu.memory_space<vmem>>
    %dma_wait3A_95 = arith.constant 0 : i32
    %dma_wait3A_96 = tpu.memref_slice %arg4[%dma_wait3A_95] : memref<100000xf32, #tpu.memory_space<hbm>> -> memref<100000xf32, #tpu.memory_space<hbm>>
    tpu.wait_indirect_dma semaphore(%arg16 : memref<!tpu.dma_semaphore, #tpu.memory_space<semaphore_mem>>) src(%dma_wait3A_96 : memref<100000xf32, #tpu.memory_space<hbm>>) dst(%dma_wait3A_92 : memref<128xf32, #tpu.memory_space<vmem>>)
    %dma_wait3A_97 = arith.constant 256 : i32
    %dma_wait3A_98 = tpu.memref_slice %arg11[%dma_wait3A_97] : memref<1600xf32, #tpu.memory_space<vmem>> -> memref<128xf32, #tpu.memory_space<vmem>>
    %dma_wait3A_99 = arith.constant 256 : i32
    %dma_wait3A_100 = tpu.memref_slice %arg10[%dma_wait3A_99] : memref<1600xi32, #tpu.memory_space<vmem>> -> memref<128xi32, #tpu.memory_space<vmem>>
    %dma_wait3A_101 = arith.constant 0 : i32
    %dma_wait3A_102 = tpu.memref_slice %arg4[%dma_wait3A_101] : memref<100000xf32, #tpu.memory_space<hbm>> -> memref<100000xf32, #tpu.memory_space<hbm>>
    tpu.wait_indirect_dma semaphore(%arg16 : memref<!tpu.dma_semaphore, #tpu.memory_space<semaphore_mem>>) src(%dma_wait3A_102 : memref<100000xf32, #tpu.memory_space<hbm>>) dst(%dma_wait3A_98 : memref<128xf32, #tpu.memory_space<vmem>>)
    %dma_wait3A_103 = arith.constant 384 : i32
    %dma_wait3A_104 = tpu.memref_slice %arg11[%dma_wait3A_103] : memref<1600xf32, #tpu.memory_space<vmem>> -> memref<128xf32, #tpu.memory_space<vmem>>
    %dma_wait3A_105 = arith.constant 384 : i32
    %dma_wait3A_106 = tpu.memref_slice %arg10[%dma_wait3A_105] : memref<1600xi32, #tpu.memory_space<vmem>> -> memref<128xi32, #tpu.memory_space<vmem>>
    %dma_wait3A_107 = arith.constant 0 : i32
    %dma_wait3A_108 = tpu.memref_slice %arg4[%dma_wait3A_107] : memref<100000xf32, #tpu.memory_space<hbm>> -> memref<100000xf32, #tpu.memory_space<hbm>>
    tpu.wait_indirect_dma semaphore(%arg16 : memref<!tpu.dma_semaphore, #tpu.memory_space<semaphore_mem>>) src(%dma_wait3A_108 : memref<100000xf32, #tpu.memory_space<hbm>>) dst(%dma_wait3A_104 : memref<128xf32, #tpu.memory_space<vmem>>)
    %dma_wait3A_109 = arith.constant 512 : i32
    %dma_wait3A_110 = tpu.memref_slice %arg11[%dma_wait3A_109] : memref<1600xf32, #tpu.memory_space<vmem>> -> memref<128xf32, #tpu.memory_space<vmem>>
    %dma_wait3A_111 = arith.constant 512 : i32
    %dma_wait3A_112 = tpu.memref_slice %arg10[%dma_wait3A_111] : memref<1600xi32, #tpu.memory_space<vmem>> -> memref<128xi32, #tpu.memory_space<vmem>>
    %dma_wait3A_113 = arith.constant 0 : i32
    %dma_wait3A_114 = tpu.memref_slice %arg4[%dma_wait3A_113] : memref<100000xf32, #tpu.memory_space<hbm>> -> memref<100000xf32, #tpu.memory_space<hbm>>
    tpu.wait_indirect_dma semaphore(%arg16 : memref<!tpu.dma_semaphore, #tpu.memory_space<semaphore_mem>>) src(%dma_wait3A_114 : memref<100000xf32, #tpu.memory_space<hbm>>) dst(%dma_wait3A_110 : memref<128xf32, #tpu.memory_space<vmem>>)
    %dma_wait3A_115 = arith.constant 640 : i32
    %dma_wait3A_116 = tpu.memref_slice %arg11[%dma_wait3A_115] : memref<1600xf32, #tpu.memory_space<vmem>> -> memref<128xf32, #tpu.memory_space<vmem>>
    %dma_wait3A_117 = arith.constant 640 : i32
    %dma_wait3A_118 = tpu.memref_slice %arg10[%dma_wait3A_117] : memref<1600xi32, #tpu.memory_space<vmem>> -> memref<128xi32, #tpu.memory_space<vmem>>
    %dma_wait3A_119 = arith.constant 0 : i32
    %dma_wait3A_120 = tpu.memref_slice %arg4[%dma_wait3A_119] : memref<100000xf32, #tpu.memory_space<hbm>> -> memref<100000xf32, #tpu.memory_space<hbm>>
    tpu.wait_indirect_dma semaphore(%arg16 : memref<!tpu.dma_semaphore, #tpu.memory_space<semaphore_mem>>) src(%dma_wait3A_120 : memref<100000xf32, #tpu.memory_space<hbm>>) dst(%dma_wait3A_116 : memref<128xf32, #tpu.memory_space<vmem>>)
    %dma_wait3A_121 = arith.constant 768 : i32
    %dma_wait3A_122 = tpu.memref_slice %arg11[%dma_wait3A_121] : memref<1600xf32, #tpu.memory_space<vmem>> -> memref<128xf32, #tpu.memory_space<vmem>>
    %dma_wait3A_123 = arith.constant 768 : i32
    %dma_wait3A_124 = tpu.memref_slice %arg10[%dma_wait3A_123] : memref<1600xi32, #tpu.memory_space<vmem>> -> memref<128xi32, #tpu.memory_space<vmem>>
    %dma_wait3A_125 = arith.constant 0 : i32
    %dma_wait3A_126 = tpu.memref_slice %arg4[%dma_wait3A_125] : memref<100000xf32, #tpu.memory_space<hbm>> -> memref<100000xf32, #tpu.memory_space<hbm>>
    tpu.wait_indirect_dma semaphore(%arg16 : memref<!tpu.dma_semaphore, #tpu.memory_space<semaphore_mem>>) src(%dma_wait3A_126 : memref<100000xf32, #tpu.memory_space<hbm>>) dst(%dma_wait3A_122 : memref<128xf32, #tpu.memory_space<vmem>>)
    %dma_wait3A_127 = arith.constant 896 : i32
    %dma_wait3A_128 = tpu.memref_slice %arg11[%dma_wait3A_127] : memref<1600xf32, #tpu.memory_space<vmem>> -> memref<128xf32, #tpu.memory_space<vmem>>
    %dma_wait3A_129 = arith.constant 896 : i32
    %dma_wait3A_130 = tpu.memref_slice %arg10[%dma_wait3A_129] : memref<1600xi32, #tpu.memory_space<vmem>> -> memref<128xi32, #tpu.memory_space<vmem>>
    %dma_wait3A_131 = arith.constant 0 : i32
    %dma_wait3A_132 = tpu.memref_slice %arg4[%dma_wait3A_131] : memref<100000xf32, #tpu.memory_space<hbm>> -> memref<100000xf32, #tpu.memory_space<hbm>>
    tpu.wait_indirect_dma semaphore(%arg16 : memref<!tpu.dma_semaphore, #tpu.memory_space<semaphore_mem>>) src(%dma_wait3A_132 : memref<100000xf32, #tpu.memory_space<hbm>>) dst(%dma_wait3A_128 : memref<128xf32, #tpu.memory_space<vmem>>)
    %dma_wait3A_133 = arith.constant 1024 : i32
    %dma_wait3A_134 = tpu.memref_slice %arg11[%dma_wait3A_133] : memref<1600xf32, #tpu.memory_space<vmem>> -> memref<128xf32, #tpu.memory_space<vmem>>
    %dma_wait3A_135 = arith.constant 1024 : i32
    %dma_wait3A_136 = tpu.memref_slice %arg10[%dma_wait3A_135] : memref<1600xi32, #tpu.memory_space<vmem>> -> memref<128xi32, #tpu.memory_space<vmem>>
    %dma_wait3A_137 = arith.constant 0 : i32
    %dma_wait3A_138 = tpu.memref_slice %arg4[%dma_wait3A_137] : memref<100000xf32, #tpu.memory_space<hbm>> -> memref<100000xf32, #tpu.memory_space<hbm>>
    tpu.wait_indirect_dma semaphore(%arg16 : memref<!tpu.dma_semaphore, #tpu.memory_space<semaphore_mem>>) src(%dma_wait3A_138 : memref<100000xf32, #tpu.memory_space<hbm>>) dst(%dma_wait3A_134 : memref<128xf32, #tpu.memory_space<vmem>>)
    %dma_wait3A_139 = arith.constant 1152 : i32
    %dma_wait3A_140 = tpu.memref_slice %arg11[%dma_wait3A_139] : memref<1600xf32, #tpu.memory_space<vmem>> -> memref<128xf32, #tpu.memory_space<vmem>>
    %dma_wait3A_141 = arith.constant 1152 : i32
    %dma_wait3A_142 = tpu.memref_slice %arg10[%dma_wait3A_141] : memref<1600xi32, #tpu.memory_space<vmem>> -> memref<128xi32, #tpu.memory_space<vmem>>
    %dma_wait3A_143 = arith.constant 0 : i32
    %dma_wait3A_144 = tpu.memref_slice %arg4[%dma_wait3A_143] : memref<100000xf32, #tpu.memory_space<hbm>> -> memref<100000xf32, #tpu.memory_space<hbm>>
    tpu.wait_indirect_dma semaphore(%arg16 : memref<!tpu.dma_semaphore, #tpu.memory_space<semaphore_mem>>) src(%dma_wait3A_144 : memref<100000xf32, #tpu.memory_space<hbm>>) dst(%dma_wait3A_140 : memref<128xf32, #tpu.memory_space<vmem>>)
    %dma_wait3A_145 = arith.constant 1280 : i32
    %dma_wait3A_146 = tpu.memref_slice %arg11[%dma_wait3A_145] : memref<1600xf32, #tpu.memory_space<vmem>> -> memref<128xf32, #tpu.memory_space<vmem>>
    %dma_wait3A_147 = arith.constant 1280 : i32
    %dma_wait3A_148 = tpu.memref_slice %arg10[%dma_wait3A_147] : memref<1600xi32, #tpu.memory_space<vmem>> -> memref<128xi32, #tpu.memory_space<vmem>>
    %dma_wait3A_149 = arith.constant 0 : i32
    %dma_wait3A_150 = tpu.memref_slice %arg4[%dma_wait3A_149] : memref<100000xf32, #tpu.memory_space<hbm>> -> memref<100000xf32, #tpu.memory_space<hbm>>
    tpu.wait_indirect_dma semaphore(%arg16 : memref<!tpu.dma_semaphore, #tpu.memory_space<semaphore_mem>>) src(%dma_wait3A_150 : memref<100000xf32, #tpu.memory_space<hbm>>) dst(%dma_wait3A_146 : memref<128xf32, #tpu.memory_space<vmem>>)
    %dma_wait3A_151 = arith.constant 1408 : i32
    %dma_wait3A_152 = tpu.memref_slice %arg11[%dma_wait3A_151] : memref<1600xf32, #tpu.memory_space<vmem>> -> memref<128xf32, #tpu.memory_space<vmem>>
    %dma_wait3A_153 = arith.constant 1408 : i32
    %dma_wait3A_154 = tpu.memref_slice %arg10[%dma_wait3A_153] : memref<1600xi32, #tpu.memory_space<vmem>> -> memref<128xi32, #tpu.memory_space<vmem>>
    %dma_wait3A_155 = arith.constant 0 : i32
    %dma_wait3A_156 = tpu.memref_slice %arg4[%dma_wait3A_155] : memref<100000xf32, #tpu.memory_space<hbm>> -> memref<100000xf32, #tpu.memory_space<hbm>>
    tpu.wait_indirect_dma semaphore(%arg16 : memref<!tpu.dma_semaphore, #tpu.memory_space<semaphore_mem>>) src(%dma_wait3A_156 : memref<100000xf32, #tpu.memory_space<hbm>>) dst(%dma_wait3A_152 : memref<128xf32, #tpu.memory_space<vmem>>)
    %dma_wait3A_157 = arith.constant 1536 : i32
    %dma_wait3A_158 = tpu.memref_slice %arg11[%dma_wait3A_157] : memref<1600xf32, #tpu.memory_space<vmem>> -> memref<64xf32, #tpu.memory_space<vmem>>
    %dma_wait3A_159 = arith.constant 1536 : i32
    %dma_wait3A_160 = tpu.memref_slice %arg10[%dma_wait3A_159] : memref<1600xi32, #tpu.memory_space<vmem>> -> memref<64xi32, #tpu.memory_space<vmem>>
    %dma_wait3A_161 = arith.constant 0 : i32
    %dma_wait3A_162 = tpu.memref_slice %arg4[%dma_wait3A_161] : memref<100000xf32, #tpu.memory_space<hbm>> -> memref<100000xf32, #tpu.memory_space<hbm>>
    tpu.wait_indirect_dma semaphore(%arg16 : memref<!tpu.dma_semaphore, #tpu.memory_space<semaphore_mem>>) src(%dma_wait3A_162 : memref<100000xf32, #tpu.memory_space<hbm>>) dst(%dma_wait3A_158 : memref<64xf32, #tpu.memory_space<vmem>>)
    %dma_wait3A_163 = arith.constant 0 : i32
    %dma_wait3A_164 = tpu.memref_slice %arg5[%dma_wait3A_163] : memref<100000xf32, #tpu.memory_space<hbm>> -> memref<100000xf32, #tpu.memory_space<hbm>>
    tpu.wait_indirect_dma semaphore(%arg16 : memref<!tpu.dma_semaphore, #tpu.memory_space<semaphore_mem>>) src(%dma_wait3A_164 : memref<100000xf32, #tpu.memory_space<hbm>>) dst(%arg14 : memref<32xf32, #tpu.memory_space<vmem>>)
    %dma_wait3A_165 = arith.constant 0 : i32
    %dma_wait3A_166 = tpu.memref_slice %arg6[%dma_wait3A_165] : memref<100000xf32, #tpu.memory_space<hbm>> -> memref<100000xf32, #tpu.memory_space<hbm>>
    tpu.wait_indirect_dma semaphore(%arg16 : memref<!tpu.dma_semaphore, #tpu.memory_space<semaphore_mem>>) src(%dma_wait3A_166 : memref<100000xf32, #tpu.memory_space<hbm>>) dst(%arg15 : memref<32xf32, #tpu.memory_space<vmem>>)
    %broadcast_in_dim3A = arith.constant 0.000000e+00 : f32
    %broadcast_in_dim3A_167 = vector.broadcast %broadcast_in_dim3A : f32 to vector<16xf32>
    %get3A = arith.constant 0 : index
    %get3A_168 = tpu.vector_load %arg11[%get3A] {strides = array<i32>} : memref<1600xf32, #tpu.memory_space<vmem>>, vector<16xf32>,
    %get3A_169 = vector.shape_cast %get3A_168 : vector<16xf32> to vector<16xf32>
    %add3A_170 = arith.addf %broadcast_in_dim3A_167, %get3A_169 : vector<16xf32>
    %get3A_171 = arith.constant 32 : index
    %get3A_172 = tpu.vector_load %arg11[%get3A_171] {strides = array<i32>} : memref<1600xf32, #tpu.memory_space<vmem>>, vector<16xf32>,
    %get3A_173 = vector.shape_cast %get3A_172 : vector<16xf32> to vector<16xf32>
    %add3A_174 = arith.addf %add3A_170, %get3A_173 : vector<16xf32>
    %get3A_175 = arith.constant 64 : index
    %get3A_176 = tpu.vector_load %arg11[%get3A_175] {strides = array<i32>} : memref<1600xf32, #tpu.memory_space<vmem>>, vector<16xf32>,
    %get3A_177 = vector.shape_cast %get3A_176 : vector<16xf32> to vector<16xf32>
    %add3A_178 = arith.addf %add3A_174, %get3A_177 : vector<16xf32>
    %get3A_179 = arith.constant 96 : index
    %get3A_180 = tpu.vector_load %arg11[%get3A_179] {strides = array<i32>} : memref<1600xf32, #tpu.memory_space<vmem>>, vector<16xf32>,
    %get3A_181 = vector.shape_cast %get3A_180 : vector<16xf32> to vector<16xf32>
    %add3A_182 = arith.addf %add3A_178, %get3A_181 : vector<16xf32>
    %get3A_183 = arith.constant 128 : index
    %get3A_184 = tpu.vector_load %arg11[%get3A_183] {strides = array<i32>} : memref<1600xf32, #tpu.memory_space<vmem>>, vector<16xf32>,
    %get3A_185 = vector.shape_cast %get3A_184 : vector<16xf32> to vector<16xf32>
    %add3A_186 = arith.addf %add3A_182, %get3A_185 : vector<16xf32>
    %get3A_187 = arith.constant 160 : index
    %get3A_188 = tpu.vector_load %arg11[%get3A_187] {strides = array<i32>} : memref<1600xf32, #tpu.memory_space<vmem>>, vector<16xf32>,
    %get3A_189 = vector.shape_cast %get3A_188 : vector<16xf32> to vector<16xf32>
    %add3A_190 = arith.addf %add3A_186, %get3A_189 : vector<16xf32>
    %get3A_191 = arith.constant 192 : index
    %get3A_192 = tpu.vector_load %arg11[%get3A_191] {strides = array<i32>} : memref<1600xf32, #tpu.memory_space<vmem>>, vector<16xf32>,
    %get3A_193 = vector.shape_cast %get3A_192 : vector<16xf32> to vector<16xf32>
    %add3A_194 = arith.addf %add3A_190, %get3A_193 : vector<16xf32>
    %get3A_195 = arith.constant 224 : index
    %get3A_196 = tpu.vector_load %arg11[%get3A_195] {strides = array<i32>} : memref<1600xf32, #tpu.memory_space<vmem>>, vector<16xf32>,
    %get3A_197 = vector.shape_cast %get3A_196 : vector<16xf32> to vector<16xf32>
    %add3A_198 = arith.addf %add3A_194, %get3A_197 : vector<16xf32>
    %get3A_199 = arith.constant 256 : index
    %get3A_200 = tpu.vector_load %arg11[%get3A_199] {strides = array<i32>} : memref<1600xf32, #tpu.memory_space<vmem>>, vector<16xf32>,
    %get3A_201 = vector.shape_cast %get3A_200 : vector<16xf32> to vector<16xf32>
    %add3A_202 = arith.addf %add3A_198, %get3A_201 : vector<16xf32>
    %get3A_203 = arith.constant 288 : index
    %get3A_204 = tpu.vector_load %arg11[%get3A_203] {strides = array<i32>} : memref<1600xf32, #tpu.memory_space<vmem>>, vector<16xf32>,
    %get3A_205 = vector.shape_cast %get3A_204 : vector<16xf32> to vector<16xf32>
    %add3A_206 = arith.addf %add3A_202, %get3A_205 : vector<16xf32>
    %get3A_207 = arith.constant 320 : index
    %get3A_208 = tpu.vector_load %arg11[%get3A_207] {strides = array<i32>} : memref<1600xf32, #tpu.memory_space<vmem>>, vector<16xf32>,
    %get3A_209 = vector.shape_cast %get3A_208 : vector<16xf32> to vector<16xf32>
    %add3A_210 = arith.addf %add3A_206, %get3A_209 : vector<16xf32>
    %get3A_211 = arith.constant 352 : index
    %get3A_212 = tpu.vector_load %arg11[%get3A_211] {strides = array<i32>} : memref<1600xf32, #tpu.memory_space<vmem>>, vector<16xf32>,
    %get3A_213 = vector.shape_cast %get3A_212 : vector<16xf32> to vector<16xf32>
    %add3A_214 = arith.addf %add3A_210, %get3A_213 : vector<16xf32>
    %get3A_215 = arith.constant 384 : index
    %get3A_216 = tpu.vector_load %arg11[%get3A_215] {strides = array<i32>} : memref<1600xf32, #tpu.memory_space<vmem>>, vector<16xf32>,
    %get3A_217 = vector.shape_cast %get3A_216 : vector<16xf32> to vector<16xf32>
    %add3A_218 = arith.addf %add3A_214, %get3A_217 : vector<16xf32>
    %get3A_219 = arith.constant 416 : index
    %get3A_220 = tpu.vector_load %arg11[%get3A_219] {strides = array<i32>} : memref<1600xf32, #tpu.memory_space<vmem>>, vector<16xf32>,
    %get3A_221 = vector.shape_cast %get3A_220 : vector<16xf32> to vector<16xf32>
    %add3A_222 = arith.addf %add3A_218, %get3A_221 : vector<16xf32>
    %get3A_223 = arith.constant 448 : index
    %get3A_224 = tpu.vector_load %arg11[%get3A_223] {strides = array<i32>} : memref<1600xf32, #tpu.memory_space<vmem>>, vector<16xf32>,
    %get3A_225 = vector.shape_cast %get3A_224 : vector<16xf32> to vector<16xf32>
    %add3A_226 = arith.addf %add3A_222, %get3A_225 : vector<16xf32>
    %get3A_227 = arith.constant 480 : index
    %get3A_228 = tpu.vector_load %arg11[%get3A_227] {strides = array<i32>} : memref<1600xf32, #tpu.memory_space<vmem>>, vector<16xf32>,
    %get3A_229 = vector.shape_cast %get3A_228 : vector<16xf32> to vector<16xf32>
    %add3A_230 = arith.addf %add3A_226, %get3A_229 : vector<16xf32>
    %get3A_231 = arith.constant 512 : index
    %get3A_232 = tpu.vector_load %arg11[%get3A_231] {strides = array<i32>} : memref<1600xf32, #tpu.memory_space<vmem>>, vector<16xf32>,
    %get3A_233 = vector.shape_cast %get3A_232 : vector<16xf32> to vector<16xf32>
    %add3A_234 = arith.addf %add3A_230, %get3A_233 : vector<16xf32>
    %get3A_235 = arith.constant 544 : index
    %get3A_236 = tpu.vector_load %arg11[%get3A_235] {strides = array<i32>} : memref<1600xf32, #tpu.memory_space<vmem>>, vector<16xf32>,
    %get3A_237 = vector.shape_cast %get3A_236 : vector<16xf32> to vector<16xf32>
    %add3A_238 = arith.addf %add3A_234, %get3A_237 : vector<16xf32>
    %get3A_239 = arith.constant 576 : index
    %get3A_240 = tpu.vector_load %arg11[%get3A_239] {strides = array<i32>} : memref<1600xf32, #tpu.memory_space<vmem>>, vector<16xf32>,
    %get3A_241 = vector.shape_cast %get3A_240 : vector<16xf32> to vector<16xf32>
    %add3A_242 = arith.addf %add3A_238, %get3A_241 : vector<16xf32>
    %get3A_243 = arith.constant 608 : index
    %get3A_244 = tpu.vector_load %arg11[%get3A_243] {strides = array<i32>} : memref<1600xf32, #tpu.memory_space<vmem>>, vector<16xf32>,
    %get3A_245 = vector.shape_cast %get3A_244 : vector<16xf32> to vector<16xf32>
    %add3A_246 = arith.addf %add3A_242, %get3A_245 : vector<16xf32>
    %get3A_247 = arith.constant 640 : index
    %get3A_248 = tpu.vector_load %arg11[%get3A_247] {strides = array<i32>} : memref<1600xf32, #tpu.memory_space<vmem>>, vector<16xf32>,
    %get3A_249 = vector.shape_cast %get3A_248 : vector<16xf32> to vector<16xf32>
    %add3A_250 = arith.addf %add3A_246, %get3A_249 : vector<16xf32>
    %get3A_251 = arith.constant 672 : index
    %get3A_252 = tpu.vector_load %arg11[%get3A_251] {strides = array<i32>} : memref<1600xf32, #tpu.memory_space<vmem>>, vector<16xf32>,
    %get3A_253 = vector.shape_cast %get3A_252 : vector<16xf32> to vector<16xf32>
    %add3A_254 = arith.addf %add3A_250, %get3A_253 : vector<16xf32>
    %get3A_255 = arith.constant 704 : index
    %get3A_256 = tpu.vector_load %arg11[%get3A_255] {strides = array<i32>} : memref<1600xf32, #tpu.memory_space<vmem>>, vector<16xf32>,
    %get3A_257 = vector.shape_cast %get3A_256 : vector<16xf32> to vector<16xf32>
    %add3A_258 = arith.addf %add3A_254, %get3A_257 : vector<16xf32>
    %get3A_259 = arith.constant 736 : index
    %get3A_260 = tpu.vector_load %arg11[%get3A_259] {strides = array<i32>} : memref<1600xf32, #tpu.memory_space<vmem>>, vector<16xf32>,
    %get3A_261 = vector.shape_cast %get3A_260 : vector<16xf32> to vector<16xf32>
    %add3A_262 = arith.addf %add3A_258, %get3A_261 : vector<16xf32>
    %get3A_263 = arith.constant 768 : index
    %get3A_264 = tpu.vector_load %arg11[%get3A_263] {strides = array<i32>} : memref<1600xf32, #tpu.memory_space<vmem>>, vector<16xf32>,
    %get3A_265 = vector.shape_cast %get3A_264 : vector<16xf32> to vector<16xf32>
    %add3A_266 = arith.addf %add3A_262, %get3A_265 : vector<16xf32>
    %get3A_267 = arith.constant 800 : index
    %get3A_268 = tpu.vector_load %arg11[%get3A_267] {strides = array<i32>} : memref<1600xf32, #tpu.memory_space<vmem>>, vector<16xf32>,
    %get3A_269 = vector.shape_cast %get3A_268 : vector<16xf32> to vector<16xf32>
    %add3A_270 = arith.addf %add3A_266, %get3A_269 : vector<16xf32>
    %get3A_271 = arith.constant 832 : index
    %get3A_272 = tpu.vector_load %arg11[%get3A_271] {strides = array<i32>} : memref<1600xf32, #tpu.memory_space<vmem>>, vector<16xf32>,
    %get3A_273 = vector.shape_cast %get3A_272 : vector<16xf32> to vector<16xf32>
    %add3A_274 = arith.addf %add3A_270, %get3A_273 : vector<16xf32>
    %get3A_275 = arith.constant 864 : index
    %get3A_276 = tpu.vector_load %arg11[%get3A_275] {strides = array<i32>} : memref<1600xf32, #tpu.memory_space<vmem>>, vector<16xf32>,
    %get3A_277 = vector.shape_cast %get3A_276 : vector<16xf32> to vector<16xf32>
    %add3A_278 = arith.addf %add3A_274, %get3A_277 : vector<16xf32>
    %get3A_279 = arith.constant 896 : index
    %get3A_280 = tpu.vector_load %arg11[%get3A_279] {strides = array<i32>} : memref<1600xf32, #tpu.memory_space<vmem>>, vector<16xf32>,
    %get3A_281 = vector.shape_cast %get3A_280 : vector<16xf32> to vector<16xf32>
    %add3A_282 = arith.addf %add3A_278, %get3A_281 : vector<16xf32>
    %get3A_283 = arith.constant 928 : index
    %get3A_284 = tpu.vector_load %arg11[%get3A_283] {strides = array<i32>} : memref<1600xf32, #tpu.memory_space<vmem>>, vector<16xf32>,
    %get3A_285 = vector.shape_cast %get3A_284 : vector<16xf32> to vector<16xf32>
    %add3A_286 = arith.addf %add3A_282, %get3A_285 : vector<16xf32>
    %get3A_287 = arith.constant 960 : index
    %get3A_288 = tpu.vector_load %arg11[%get3A_287] {strides = array<i32>} : memref<1600xf32, #tpu.memory_space<vmem>>, vector<16xf32>,
    %get3A_289 = vector.shape_cast %get3A_288 : vector<16xf32> to vector<16xf32>
    %add3A_290 = arith.addf %add3A_286, %get3A_289 : vector<16xf32>
    %get3A_291 = arith.constant 992 : index
    %get3A_292 = tpu.vector_load %arg11[%get3A_291] {strides = array<i32>} : memref<1600xf32, #tpu.memory_space<vmem>>, vector<16xf32>,
    %get3A_293 = vector.shape_cast %get3A_292 : vector<16xf32> to vector<16xf32>
    %add3A_294 = arith.addf %add3A_290, %get3A_293 : vector<16xf32>
    %get3A_295 = arith.constant 1024 : index
    %get3A_296 = tpu.vector_load %arg11[%get3A_295] {strides = array<i32>} : memref<1600xf32, #tpu.memory_space<vmem>>, vector<16xf32>,
    %get3A_297 = vector.shape_cast %get3A_296 : vector<16xf32> to vector<16xf32>
    %add3A_298 = arith.addf %add3A_294, %get3A_297 : vector<16xf32>
    %get3A_299 = arith.constant 1056 : index
    %get3A_300 = tpu.vector_load %arg11[%get3A_299] {strides = array<i32>} : memref<1600xf32, #tpu.memory_space<vmem>>, vector<16xf32>,
    %get3A_301 = vector.shape_cast %get3A_300 : vector<16xf32> to vector<16xf32>
    %add3A_302 = arith.addf %add3A_298, %get3A_301 : vector<16xf32>
    %get3A_303 = arith.constant 1088 : index
    %get3A_304 = tpu.vector_load %arg11[%get3A_303] {strides = array<i32>} : memref<1600xf32, #tpu.memory_space<vmem>>, vector<16xf32>,
    %get3A_305 = vector.shape_cast %get3A_304 : vector<16xf32> to vector<16xf32>
    %add3A_306 = arith.addf %add3A_302, %get3A_305 : vector<16xf32>
    %get3A_307 = arith.constant 1120 : index
    %get3A_308 = tpu.vector_load %arg11[%get3A_307] {strides = array<i32>} : memref<1600xf32, #tpu.memory_space<vmem>>, vector<16xf32>,
    %get3A_309 = vector.shape_cast %get3A_308 : vector<16xf32> to vector<16xf32>
    %add3A_310 = arith.addf %add3A_306, %get3A_309 : vector<16xf32>
    %get3A_311 = arith.constant 1152 : index
    %get3A_312 = tpu.vector_load %arg11[%get3A_311] {strides = array<i32>} : memref<1600xf32, #tpu.memory_space<vmem>>, vector<16xf32>,
    %get3A_313 = vector.shape_cast %get3A_312 : vector<16xf32> to vector<16xf32>
    %add3A_314 = arith.addf %add3A_310, %get3A_313 : vector<16xf32>
    %get3A_315 = arith.constant 1184 : index
    %get3A_316 = tpu.vector_load %arg11[%get3A_315] {strides = array<i32>} : memref<1600xf32, #tpu.memory_space<vmem>>, vector<16xf32>,
    %get3A_317 = vector.shape_cast %get3A_316 : vector<16xf32> to vector<16xf32>
    %add3A_318 = arith.addf %add3A_314, %get3A_317 : vector<16xf32>
    %get3A_319 = arith.constant 1216 : index
    %get3A_320 = tpu.vector_load %arg11[%get3A_319] {strides = array<i32>} : memref<1600xf32, #tpu.memory_space<vmem>>, vector<16xf32>,
    %get3A_321 = vector.shape_cast %get3A_320 : vector<16xf32> to vector<16xf32>
    %add3A_322 = arith.addf %add3A_318, %get3A_321 : vector<16xf32>
    %get3A_323 = arith.constant 1248 : index
    %get3A_324 = tpu.vector_load %arg11[%get3A_323] {strides = array<i32>} : memref<1600xf32, #tpu.memory_space<vmem>>, vector<16xf32>,
    %get3A_325 = vector.shape_cast %get3A_324 : vector<16xf32> to vector<16xf32>
    %add3A_326 = arith.addf %add3A_322, %get3A_325 : vector<16xf32>
    %get3A_327 = arith.constant 1280 : index
    %get3A_328 = tpu.vector_load %arg11[%get3A_327] {strides = array<i32>} : memref<1600xf32, #tpu.memory_space<vmem>>, vector<16xf32>,
    %get3A_329 = vector.shape_cast %get3A_328 : vector<16xf32> to vector<16xf32>
    %add3A_330 = arith.addf %add3A_326, %get3A_329 : vector<16xf32>
    %get3A_331 = arith.constant 1312 : index
    %get3A_332 = tpu.vector_load %arg11[%get3A_331] {strides = array<i32>} : memref<1600xf32, #tpu.memory_space<vmem>>, vector<16xf32>,
    %get3A_333 = vector.shape_cast %get3A_332 : vector<16xf32> to vector<16xf32>
    %add3A_334 = arith.addf %add3A_330, %get3A_333 : vector<16xf32>
    %get3A_335 = arith.constant 1344 : index
    %get3A_336 = tpu.vector_load %arg11[%get3A_335] {strides = array<i32>} : memref<1600xf32, #tpu.memory_space<vmem>>, vector<16xf32>,
    %get3A_337 = vector.shape_cast %get3A_336 : vector<16xf32> to vector<16xf32>
    %add3A_338 = arith.addf %add3A_334, %get3A_337 : vector<16xf32>
    %get3A_339 = arith.constant 1376 : index
    %get3A_340 = tpu.vector_load %arg11[%get3A_339] {strides = array<i32>} : memref<1600xf32, #tpu.memory_space<vmem>>, vector<16xf32>,
    %get3A_341 = vector.shape_cast %get3A_340 : vector<16xf32> to vector<16xf32>
    %add3A_342 = arith.addf %add3A_338, %get3A_341 : vector<16xf32>
    %get3A_343 = arith.constant 1408 : index
    %get3A_344 = tpu.vector_load %arg11[%get3A_343] {strides = array<i32>} : memref<1600xf32, #tpu.memory_space<vmem>>, vector<16xf32>,
    %get3A_345 = vector.shape_cast %get3A_344 : vector<16xf32> to vector<16xf32>
    %add3A_346 = arith.addf %add3A_342, %get3A_345 : vector<16xf32>
    %get3A_347 = arith.constant 1440 : index
    %get3A_348 = tpu.vector_load %arg11[%get3A_347] {strides = array<i32>} : memref<1600xf32, #tpu.memory_space<vmem>>, vector<16xf32>,
    %get3A_349 = vector.shape_cast %get3A_348 : vector<16xf32> to vector<16xf32>
    %add3A_350 = arith.addf %add3A_346, %get3A_349 : vector<16xf32>
    %get3A_351 = arith.constant 1472 : index
    %get3A_352 = tpu.vector_load %arg11[%get3A_351] {strides = array<i32>} : memref<1600xf32, #tpu.memory_space<vmem>>, vector<16xf32>,
    %get3A_353 = vector.shape_cast %get3A_352 : vector<16xf32> to vector<16xf32>
    %add3A_354 = arith.addf %add3A_350, %get3A_353 : vector<16xf32>
    %get3A_355 = arith.constant 1504 : index
    %get3A_356 = tpu.vector_load %arg11[%get3A_355] {strides = array<i32>} : memref<1600xf32, #tpu.memory_space<vmem>>, vector<16xf32>,
    %get3A_357 = vector.shape_cast %get3A_356 : vector<16xf32> to vector<16xf32>
    %add3A_358 = arith.addf %add3A_354, %get3A_357 : vector<16xf32>
    %get3A_359 = arith.constant 1536 : index
    %get3A_360 = tpu.vector_load %arg11[%get3A_359] {strides = array<i32>} : memref<1600xf32, #tpu.memory_space<vmem>>, vector<16xf32>,
    %get3A_361 = vector.shape_cast %get3A_360 : vector<16xf32> to vector<16xf32>
    %add3A_362 = arith.addf %add3A_358, %get3A_361 : vector<16xf32>
    %get3A_363 = arith.constant 1568 : index
    %get3A_364 = tpu.vector_load %arg11[%get3A_363] {strides = array<i32>} : memref<1600xf32, #tpu.memory_space<vmem>>, vector<16xf32>,
    %get3A_365 = vector.shape_cast %get3A_364 : vector<16xf32> to vector<16xf32>
    %add3A_366 = arith.addf %add3A_362, %get3A_365 : vector<16xf32>
    %swap3A = arith.constant 0 : index
    %swap3A_367 = tpu.vector_load %arg13[%swap3A] {strides = array<i32>} : memref<32xf32, #tpu.memory_space<vmem>>, vector<16xf32>,
    %swap3A_368 = vector.shape_cast %swap3A_367 : vector<16xf32> to vector<16xf32>
    %swap3A_369 = vector.shape_cast %add3A_366 : vector<16xf32> to vector<16xf32>
    tpu.vector_store %arg13[%swap3A], %swap3A_369 {strides = array<i32>} : memref<32xf32, #tpu.memory_space<vmem>>, vector<16xf32>,
    %broadcast_in_dim3A_370 = arith.constant 0.000000e+00 : f32
    %broadcast_in_dim3A_371 = vector.broadcast %broadcast_in_dim3A_370 : f32 to vector<16xf32>
    %get3A_372 = arith.constant 16 : index
    %get3A_373 = tpu.vector_load %arg11[%get3A_372] {strides = array<i32>} : memref<1600xf32, #tpu.memory_space<vmem>>, vector<16xf32>,
    %get3A_374 = vector.shape_cast %get3A_373 : vector<16xf32> to vector<16xf32>
    %add3A_375 = arith.addf %broadcast_in_dim3A_371, %get3A_374 : vector<16xf32>
    %get3A_376 = arith.constant 48 : index
    %get3A_377 = tpu.vector_load %arg11[%get3A_376] {strides = array<i32>} : memref<1600xf32, #tpu.memory_space<vmem>>, vector<16xf32>,
    %get3A_378 = vector.shape_cast %get3A_377 : vector<16xf32> to vector<16xf32>
    %add3A_379 = arith.addf %add3A_375, %get3A_378 : vector<16xf32>
    %get3A_380 = arith.constant 80 : index
    %get3A_381 = tpu.vector_load %arg11[%get3A_380] {strides = array<i32>} : memref<1600xf32, #tpu.memory_space<vmem>>, vector<16xf32>,
    %get3A_382 = vector.shape_cast %get3A_381 : vector<16xf32> to vector<16xf32>
    %add3A_383 = arith.addf %add3A_379, %get3A_382 : vector<16xf32>
    %get3A_384 = arith.constant 112 : index
    %get3A_385 = tpu.vector_load %arg11[%get3A_384] {strides = array<i32>} : memref<1600xf32, #tpu.memory_space<vmem>>, vector<16xf32>,
    %get3A_386 = vector.shape_cast %get3A_385 : vector<16xf32> to vector<16xf32>
    %add3A_387 = arith.addf %add3A_383, %get3A_386 : vector<16xf32>
    %get3A_388 = arith.constant 144 : index
    %get3A_389 = tpu.vector_load %arg11[%get3A_388] {strides = array<i32>} : memref<1600xf32, #tpu.memory_space<vmem>>, vector<16xf32>,
    %get3A_390 = vector.shape_cast %get3A_389 : vector<16xf32> to vector<16xf32>
    %add3A_391 = arith.addf %add3A_387, %get3A_390 : vector<16xf32>
    %get3A_392 = arith.constant 176 : index
    %get3A_393 = tpu.vector_load %arg11[%get3A_392] {strides = array<i32>} : memref<1600xf32, #tpu.memory_space<vmem>>, vector<16xf32>,
    %get3A_394 = vector.shape_cast %get3A_393 : vector<16xf32> to vector<16xf32>
    %add3A_395 = arith.addf %add3A_391, %get3A_394 : vector<16xf32>
    %get3A_396 = arith.constant 208 : index
    %get3A_397 = tpu.vector_load %arg11[%get3A_396] {strides = array<i32>} : memref<1600xf32, #tpu.memory_space<vmem>>, vector<16xf32>,
    %get3A_398 = vector.shape_cast %get3A_397 : vector<16xf32> to vector<16xf32>
    %add3A_399 = arith.addf %add3A_395, %get3A_398 : vector<16xf32>
    %get3A_400 = arith.constant 240 : index
    %get3A_401 = tpu.vector_load %arg11[%get3A_400] {strides = array<i32>} : memref<1600xf32, #tpu.memory_space<vmem>>, vector<16xf32>,
    %get3A_402 = vector.shape_cast %get3A_401 : vector<16xf32> to vector<16xf32>
    %add3A_403 = arith.addf %add3A_399, %get3A_402 : vector<16xf32>
    %get3A_404 = arith.constant 272 : index
    %get3A_405 = tpu.vector_load %arg11[%get3A_404] {strides = array<i32>} : memref<1600xf32, #tpu.memory_space<vmem>>, vector<16xf32>,
    %get3A_406 = vector.shape_cast %get3A_405 : vector<16xf32> to vector<16xf32>
    %add3A_407 = arith.addf %add3A_403, %get3A_406 : vector<16xf32>
    %get3A_408 = arith.constant 304 : index
    %get3A_409 = tpu.vector_load %arg11[%get3A_408] {strides = array<i32>} : memref<1600xf32, #tpu.memory_space<vmem>>, vector<16xf32>,
    %get3A_410 = vector.shape_cast %get3A_409 : vector<16xf32> to vector<16xf32>
    %add3A_411 = arith.addf %add3A_407, %get3A_410 : vector<16xf32>
    %get3A_412 = arith.constant 336 : index
    %get3A_413 = tpu.vector_load %arg11[%get3A_412] {strides = array<i32>} : memref<1600xf32, #tpu.memory_space<vmem>>, vector<16xf32>,
    %get3A_414 = vector.shape_cast %get3A_413 : vector<16xf32> to vector<16xf32>
    %add3A_415 = arith.addf %add3A_411, %get3A_414 : vector<16xf32>
    %get3A_416 = arith.constant 368 : index
    %get3A_417 = tpu.vector_load %arg11[%get3A_416] {strides = array<i32>} : memref<1600xf32, #tpu.memory_space<vmem>>, vector<16xf32>,
    %get3A_418 = vector.shape_cast %get3A_417 : vector<16xf32> to vector<16xf32>
    %add3A_419 = arith.addf %add3A_415, %get3A_418 : vector<16xf32>
    %get3A_420 = arith.constant 400 : index
    %get3A_421 = tpu.vector_load %arg11[%get3A_420] {strides = array<i32>} : memref<1600xf32, #tpu.memory_space<vmem>>, vector<16xf32>,
    %get3A_422 = vector.shape_cast %get3A_421 : vector<16xf32> to vector<16xf32>
    %add3A_423 = arith.addf %add3A_419, %get3A_422 : vector<16xf32>
    %get3A_424 = arith.constant 432 : index
    %get3A_425 = tpu.vector_load %arg11[%get3A_424] {strides = array<i32>} : memref<1600xf32, #tpu.memory_space<vmem>>, vector<16xf32>,
    %get3A_426 = vector.shape_cast %get3A_425 : vector<16xf32> to vector<16xf32>
    %add3A_427 = arith.addf %add3A_423, %get3A_426 : vector<16xf32>
    %get3A_428 = arith.constant 464 : index
    %get3A_429 = tpu.vector_load %arg11[%get3A_428] {strides = array<i32>} : memref<1600xf32, #tpu.memory_space<vmem>>, vector<16xf32>,
    %get3A_430 = vector.shape_cast %get3A_429 : vector<16xf32> to vector<16xf32>
    %add3A_431 = arith.addf %add3A_427, %get3A_430 : vector<16xf32>
    %get3A_432 = arith.constant 496 : index
    %get3A_433 = tpu.vector_load %arg11[%get3A_432] {strides = array<i32>} : memref<1600xf32, #tpu.memory_space<vmem>>, vector<16xf32>,
    %get3A_434 = vector.shape_cast %get3A_433 : vector<16xf32> to vector<16xf32>
    %add3A_435 = arith.addf %add3A_431, %get3A_434 : vector<16xf32>
    %get3A_436 = arith.constant 528 : index
    %get3A_437 = tpu.vector_load %arg11[%get3A_436] {strides = array<i32>} : memref<1600xf32, #tpu.memory_space<vmem>>, vector<16xf32>,
    %get3A_438 = vector.shape_cast %get3A_437 : vector<16xf32> to vector<16xf32>
    %add3A_439 = arith.addf %add3A_435, %get3A_438 : vector<16xf32>
    %get3A_440 = arith.constant 560 : index
    %get3A_441 = tpu.vector_load %arg11[%get3A_440] {strides = array<i32>} : memref<1600xf32, #tpu.memory_space<vmem>>, vector<16xf32>,
    %get3A_442 = vector.shape_cast %get3A_441 : vector<16xf32> to vector<16xf32>
    %add3A_443 = arith.addf %add3A_439, %get3A_442 : vector<16xf32>
    %get3A_444 = arith.constant 592 : index
    %get3A_445 = tpu.vector_load %arg11[%get3A_444] {strides = array<i32>} : memref<1600xf32, #tpu.memory_space<vmem>>, vector<16xf32>,
    %get3A_446 = vector.shape_cast %get3A_445 : vector<16xf32> to vector<16xf32>
    %add3A_447 = arith.addf %add3A_443, %get3A_446 : vector<16xf32>
    %get3A_448 = arith.constant 624 : index
    %get3A_449 = tpu.vector_load %arg11[%get3A_448] {strides = array<i32>} : memref<1600xf32, #tpu.memory_space<vmem>>, vector<16xf32>,
    %get3A_450 = vector.shape_cast %get3A_449 : vector<16xf32> to vector<16xf32>
    %add3A_451 = arith.addf %add3A_447, %get3A_450 : vector<16xf32>
    %get3A_452 = arith.constant 656 : index
    %get3A_453 = tpu.vector_load %arg11[%get3A_452] {strides = array<i32>} : memref<1600xf32, #tpu.memory_space<vmem>>, vector<16xf32>,
    %get3A_454 = vector.shape_cast %get3A_453 : vector<16xf32> to vector<16xf32>
    %add3A_455 = arith.addf %add3A_451, %get3A_454 : vector<16xf32>
    %get3A_456 = arith.constant 688 : index
    %get3A_457 = tpu.vector_load %arg11[%get3A_456] {strides = array<i32>} : memref<1600xf32, #tpu.memory_space<vmem>>, vector<16xf32>,
    %get3A_458 = vector.shape_cast %get3A_457 : vector<16xf32> to vector<16xf32>
    %add3A_459 = arith.addf %add3A_455, %get3A_458 : vector<16xf32>
    %get3A_460 = arith.constant 720 : index
    %get3A_461 = tpu.vector_load %arg11[%get3A_460] {strides = array<i32>} : memref<1600xf32, #tpu.memory_space<vmem>>, vector<16xf32>,
    %get3A_462 = vector.shape_cast %get3A_461 : vector<16xf32> to vector<16xf32>
    %add3A_463 = arith.addf %add3A_459, %get3A_462 : vector<16xf32>
    %get3A_464 = arith.constant 752 : index
    %get3A_465 = tpu.vector_load %arg11[%get3A_464] {strides = array<i32>} : memref<1600xf32, #tpu.memory_space<vmem>>, vector<16xf32>,
    %get3A_466 = vector.shape_cast %get3A_465 : vector<16xf32> to vector<16xf32>
    %add3A_467 = arith.addf %add3A_463, %get3A_466 : vector<16xf32>
    %get3A_468 = arith.constant 784 : index
    %get3A_469 = tpu.vector_load %arg11[%get3A_468] {strides = array<i32>} : memref<1600xf32, #tpu.memory_space<vmem>>, vector<16xf32>,
    %get3A_470 = vector.shape_cast %get3A_469 : vector<16xf32> to vector<16xf32>
    %add3A_471 = arith.addf %add3A_467, %get3A_470 : vector<16xf32>
    %get3A_472 = arith.constant 816 : index
    %get3A_473 = tpu.vector_load %arg11[%get3A_472] {strides = array<i32>} : memref<1600xf32, #tpu.memory_space<vmem>>, vector<16xf32>,
    %get3A_474 = vector.shape_cast %get3A_473 : vector<16xf32> to vector<16xf32>
    %add3A_475 = arith.addf %add3A_471, %get3A_474 : vector<16xf32>
    %get3A_476 = arith.constant 848 : index
    %get3A_477 = tpu.vector_load %arg11[%get3A_476] {strides = array<i32>} : memref<1600xf32, #tpu.memory_space<vmem>>, vector<16xf32>,
    %get3A_478 = vector.shape_cast %get3A_477 : vector<16xf32> to vector<16xf32>
    %add3A_479 = arith.addf %add3A_475, %get3A_478 : vector<16xf32>
    %get3A_480 = arith.constant 880 : index
    %get3A_481 = tpu.vector_load %arg11[%get3A_480] {strides = array<i32>} : memref<1600xf32, #tpu.memory_space<vmem>>, vector<16xf32>,
    %get3A_482 = vector.shape_cast %get3A_481 : vector<16xf32> to vector<16xf32>
    %add3A_483 = arith.addf %add3A_479, %get3A_482 : vector<16xf32>
    %get3A_484 = arith.constant 912 : index
    %get3A_485 = tpu.vector_load %arg11[%get3A_484] {strides = array<i32>} : memref<1600xf32, #tpu.memory_space<vmem>>, vector<16xf32>,
    %get3A_486 = vector.shape_cast %get3A_485 : vector<16xf32> to vector<16xf32>
    %add3A_487 = arith.addf %add3A_483, %get3A_486 : vector<16xf32>
    %get3A_488 = arith.constant 944 : index
    %get3A_489 = tpu.vector_load %arg11[%get3A_488] {strides = array<i32>} : memref<1600xf32, #tpu.memory_space<vmem>>, vector<16xf32>,
    %get3A_490 = vector.shape_cast %get3A_489 : vector<16xf32> to vector<16xf32>
    %add3A_491 = arith.addf %add3A_487, %get3A_490 : vector<16xf32>
    %get3A_492 = arith.constant 976 : index
    %get3A_493 = tpu.vector_load %arg11[%get3A_492] {strides = array<i32>} : memref<1600xf32, #tpu.memory_space<vmem>>, vector<16xf32>,
    %get3A_494 = vector.shape_cast %get3A_493 : vector<16xf32> to vector<16xf32>
    %add3A_495 = arith.addf %add3A_491, %get3A_494 : vector<16xf32>
    %get3A_496 = arith.constant 1008 : index
    %get3A_497 = tpu.vector_load %arg11[%get3A_496] {strides = array<i32>} : memref<1600xf32, #tpu.memory_space<vmem>>, vector<16xf32>,
    %get3A_498 = vector.shape_cast %get3A_497 : vector<16xf32> to vector<16xf32>
    %add3A_499 = arith.addf %add3A_495, %get3A_498 : vector<16xf32>
    %get3A_500 = arith.constant 1040 : index
    %get3A_501 = tpu.vector_load %arg11[%get3A_500] {strides = array<i32>} : memref<1600xf32, #tpu.memory_space<vmem>>, vector<16xf32>,
    %get3A_502 = vector.shape_cast %get3A_501 : vector<16xf32> to vector<16xf32>
    %add3A_503 = arith.addf %add3A_499, %get3A_502 : vector<16xf32>
    %get3A_504 = arith.constant 1072 : index
    %get3A_505 = tpu.vector_load %arg11[%get3A_504] {strides = array<i32>} : memref<1600xf32, #tpu.memory_space<vmem>>, vector<16xf32>,
    %get3A_506 = vector.shape_cast %get3A_505 : vector<16xf32> to vector<16xf32>
    %add3A_507 = arith.addf %add3A_503, %get3A_506 : vector<16xf32>
    %get3A_508 = arith.constant 1104 : index
    %get3A_509 = tpu.vector_load %arg11[%get3A_508] {strides = array<i32>} : memref<1600xf32, #tpu.memory_space<vmem>>, vector<16xf32>,
    %get3A_510 = vector.shape_cast %get3A_509 : vector<16xf32> to vector<16xf32>
    %add3A_511 = arith.addf %add3A_507, %get3A_510 : vector<16xf32>
    %get3A_512 = arith.constant 1136 : index
    %get3A_513 = tpu.vector_load %arg11[%get3A_512] {strides = array<i32>} : memref<1600xf32, #tpu.memory_space<vmem>>, vector<16xf32>,
    %get3A_514 = vector.shape_cast %get3A_513 : vector<16xf32> to vector<16xf32>
    %add3A_515 = arith.addf %add3A_511, %get3A_514 : vector<16xf32>
    %get3A_516 = arith.constant 1168 : index
    %get3A_517 = tpu.vector_load %arg11[%get3A_516] {strides = array<i32>} : memref<1600xf32, #tpu.memory_space<vmem>>, vector<16xf32>,
    %get3A_518 = vector.shape_cast %get3A_517 : vector<16xf32> to vector<16xf32>
    %add3A_519 = arith.addf %add3A_515, %get3A_518 : vector<16xf32>
    %get3A_520 = arith.constant 1200 : index
    %get3A_521 = tpu.vector_load %arg11[%get3A_520] {strides = array<i32>} : memref<1600xf32, #tpu.memory_space<vmem>>, vector<16xf32>,
    %get3A_522 = vector.shape_cast %get3A_521 : vector<16xf32> to vector<16xf32>
    %add3A_523 = arith.addf %add3A_519, %get3A_522 : vector<16xf32>
    %get3A_524 = arith.constant 1232 : index
    %get3A_525 = tpu.vector_load %arg11[%get3A_524] {strides = array<i32>} : memref<1600xf32, #tpu.memory_space<vmem>>, vector<16xf32>,
    %get3A_526 = vector.shape_cast %get3A_525 : vector<16xf32> to vector<16xf32>
    %add3A_527 = arith.addf %add3A_523, %get3A_526 : vector<16xf32>
    %get3A_528 = arith.constant 1264 : index
    %get3A_529 = tpu.vector_load %arg11[%get3A_528] {strides = array<i32>} : memref<1600xf32, #tpu.memory_space<vmem>>, vector<16xf32>,
    %get3A_530 = vector.shape_cast %get3A_529 : vector<16xf32> to vector<16xf32>
    %add3A_531 = arith.addf %add3A_527, %get3A_530 : vector<16xf32>
    %get3A_532 = arith.constant 1296 : index
    %get3A_533 = tpu.vector_load %arg11[%get3A_532] {strides = array<i32>} : memref<1600xf32, #tpu.memory_space<vmem>>, vector<16xf32>,
    %get3A_534 = vector.shape_cast %get3A_533 : vector<16xf32> to vector<16xf32>
    %add3A_535 = arith.addf %add3A_531, %get3A_534 : vector<16xf32>
    %get3A_536 = arith.constant 1328 : index
    %get3A_537 = tpu.vector_load %arg11[%get3A_536] {strides = array<i32>} : memref<1600xf32, #tpu.memory_space<vmem>>, vector<16xf32>,
    %get3A_538 = vector.shape_cast %get3A_537 : vector<16xf32> to vector<16xf32>
    %add3A_539 = arith.addf %add3A_535, %get3A_538 : vector<16xf32>
    %get3A_540 = arith.constant 1360 : index
    %get3A_541 = tpu.vector_load %arg11[%get3A_540] {strides = array<i32>} : memref<1600xf32, #tpu.memory_space<vmem>>, vector<16xf32>,
    %get3A_542 = vector.shape_cast %get3A_541 : vector<16xf32> to vector<16xf32>
    %add3A_543 = arith.addf %add3A_539, %get3A_542 : vector<16xf32>
    %get3A_544 = arith.constant 1392 : index
    %get3A_545 = tpu.vector_load %arg11[%get3A_544] {strides = array<i32>} : memref<1600xf32, #tpu.memory_space<vmem>>, vector<16xf32>,
    %get3A_546 = vector.shape_cast %get3A_545 : vector<16xf32> to vector<16xf32>
    %add3A_547 = arith.addf %add3A_543, %get3A_546 : vector<16xf32>
    %get3A_548 = arith.constant 1424 : index
    %get3A_549 = tpu.vector_load %arg11[%get3A_548] {strides = array<i32>} : memref<1600xf32, #tpu.memory_space<vmem>>, vector<16xf32>,
    %get3A_550 = vector.shape_cast %get3A_549 : vector<16xf32> to vector<16xf32>
    %add3A_551 = arith.addf %add3A_547, %get3A_550 : vector<16xf32>
    %get3A_552 = arith.constant 1456 : index
    %get3A_553 = tpu.vector_load %arg11[%get3A_552] {strides = array<i32>} : memref<1600xf32, #tpu.memory_space<vmem>>, vector<16xf32>,
    %get3A_554 = vector.shape_cast %get3A_553 : vector<16xf32> to vector<16xf32>
    %add3A_555 = arith.addf %add3A_551, %get3A_554 : vector<16xf32>
    %get3A_556 = arith.constant 1488 : index
    %get3A_557 = tpu.vector_load %arg11[%get3A_556] {strides = array<i32>} : memref<1600xf32, #tpu.memory_space<vmem>>, vector<16xf32>,
    %get3A_558 = vector.shape_cast %get3A_557 : vector<16xf32> to vector<16xf32>
    %add3A_559 = arith.addf %add3A_555, %get3A_558 : vector<16xf32>
    %get3A_560 = arith.constant 1520 : index
    %get3A_561 = tpu.vector_load %arg11[%get3A_560] {strides = array<i32>} : memref<1600xf32, #tpu.memory_space<vmem>>, vector<16xf32>,
    %get3A_562 = vector.shape_cast %get3A_561 : vector<16xf32> to vector<16xf32>
    %add3A_563 = arith.addf %add3A_559, %get3A_562 : vector<16xf32>
    %get3A_564 = arith.constant 1552 : index
    %get3A_565 = tpu.vector_load %arg11[%get3A_564] {strides = array<i32>} : memref<1600xf32, #tpu.memory_space<vmem>>, vector<16xf32>,
    %get3A_566 = vector.shape_cast %get3A_565 : vector<16xf32> to vector<16xf32>
    %add3A_567 = arith.addf %add3A_563, %get3A_566 : vector<16xf32>
    %get3A_568 = arith.constant 1584 : index
    %get3A_569 = tpu.vector_load %arg11[%get3A_568] {strides = array<i32>} : memref<1600xf32, #tpu.memory_space<vmem>>, vector<16xf32>,
    %get3A_570 = vector.shape_cast %get3A_569 : vector<16xf32> to vector<16xf32>
    %add3A_571 = arith.addf %add3A_567, %get3A_570 : vector<16xf32>
    %swap3A_572 = arith.constant 16 : index
    %swap3A_573 = tpu.vector_load %arg13[%swap3A_572] {strides = array<i32>} : memref<32xf32, #tpu.memory_space<vmem>>, vector<16xf32>,
    %swap3A_574 = vector.shape_cast %swap3A_573 : vector<16xf32> to vector<16xf32>
    %swap3A_575 = vector.shape_cast %add3A_571 : vector<16xf32> to vector<16xf32>
    tpu.vector_store %arg13[%swap3A_572], %swap3A_575 {strides = array<i32>} : memref<32xf32, #tpu.memory_space<vmem>>, vector<16xf32>,
    "tpu.region"() ({
      %run_scoped3A = tpu.sem_alloc : memref<!tpu.dma_semaphore, #tpu.memory_space<semaphore_mem>>
      %dma_start3A_576 = tpu.memref_slice %arg7[%mul3A_2] : memref<1024xf32, #tpu.memory_space<hbm>> -> memref<32xf32, #tpu.memory_space<hbm>>
      %dma_start3A_577 = tpu.memref_slice %arg7[%mul3A_2] : memref<1024xf32, #tpu.memory_space<hbm>> -> memref<32xf32, #tpu.memory_space<hbm>>
      tpu.enqueue_dma source(%arg13 : memref<32xf32, #tpu.memory_space<vmem>>) target(%dma_start3A_577 : memref<32xf32, #tpu.memory_space<hbm>>) target_semaphore(%run_scoped3A : memref<!tpu.dma_semaphore, #tpu.memory_space<semaphore_mem>>)
      %dma_wait3A_578 = tpu.memref_slice %arg7[%mul3A_2] : memref<1024xf32, #tpu.memory_space<hbm>> -> memref<32xf32, #tpu.memory_space<hbm>>
      %dma_wait3A_579 = tpu.memref_slice %arg7[%mul3A_2] : memref<1024xf32, #tpu.memory_space<hbm>> -> memref<32xf32, #tpu.memory_space<hbm>>
      tpu.wait_dma2 semaphore(%run_scoped3A : memref<!tpu.dma_semaphore, #tpu.memory_space<semaphore_mem>>) src(%arg13 : memref<32xf32, #tpu.memory_space<vmem>>) dst(%dma_wait3A_579 : memref<32xf32, #tpu.memory_space<hbm>>)
      tpu.yield
    }) : () -> ()
    "tpu.region"() ({
      %run_scoped3A = tpu.sem_alloc : memref<!tpu.dma_semaphore, #tpu.memory_space<semaphore_mem>>
      %dma_start3A_576 = tpu.memref_slice %arg8[%mul3A_2] : memref<1024xf32, #tpu.memory_space<hbm>> -> memref<32xf32, #tpu.memory_space<hbm>>
      %dma_start3A_577 = tpu.memref_slice %arg8[%mul3A_2] : memref<1024xf32, #tpu.memory_space<hbm>> -> memref<32xf32, #tpu.memory_space<hbm>>
      tpu.enqueue_dma source(%arg14 : memref<32xf32, #tpu.memory_space<vmem>>) target(%dma_start3A_577 : memref<32xf32, #tpu.memory_space<hbm>>) target_semaphore(%run_scoped3A : memref<!tpu.dma_semaphore, #tpu.memory_space<semaphore_mem>>)
      %dma_wait3A_578 = tpu.memref_slice %arg8[%mul3A_2] : memref<1024xf32, #tpu.memory_space<hbm>> -> memref<32xf32, #tpu.memory_space<hbm>>
      %dma_wait3A_579 = tpu.memref_slice %arg8[%mul3A_2] : memref<1024xf32, #tpu.memory_space<hbm>> -> memref<32xf32, #tpu.memory_space<hbm>>
      tpu.wait_dma2 semaphore(%run_scoped3A : memref<!tpu.dma_semaphore, #tpu.memory_space<semaphore_mem>>) src(%arg14 : memref<32xf32, #tpu.memory_space<vmem>>) dst(%dma_wait3A_579 : memref<32xf32, #tpu.memory_space<hbm>>)
      tpu.yield
    }) : () -> ()
    "tpu.region"() ({
      %run_scoped3A = tpu.sem_alloc : memref<!tpu.dma_semaphore, #tpu.memory_space<semaphore_mem>>
      %dma_start3A_576 = tpu.memref_slice %arg9[%mul3A_2] : memref<1024xf32, #tpu.memory_space<hbm>> -> memref<32xf32, #tpu.memory_space<hbm>>
      %dma_start3A_577 = tpu.memref_slice %arg9[%mul3A_2] : memref<1024xf32, #tpu.memory_space<hbm>> -> memref<32xf32, #tpu.memory_space<hbm>>
      tpu.enqueue_dma source(%arg15 : memref<32xf32, #tpu.memory_space<vmem>>) target(%dma_start3A_577 : memref<32xf32, #tpu.memory_space<hbm>>) target_semaphore(%run_scoped3A : memref<!tpu.dma_semaphore, #tpu.memory_space<semaphore_mem>>)
      %dma_wait3A_578 = tpu.memref_slice %arg9[%mul3A_2] : memref<1024xf32, #tpu.memory_space<hbm>> -> memref<32xf32, #tpu.memory_space<hbm>>
      %dma_wait3A_579 = tpu.memref_slice %arg9[%mul3A_2] : memref<1024xf32, #tpu.memory_space<hbm>> -> memref<32xf32, #tpu.memory_space<hbm>>
      tpu.wait_dma2 semaphore(%run_scoped3A : memref<!tpu.dma_semaphore, #tpu.memory_space<semaphore_mem>>) src(%arg15 : memref<32xf32, #tpu.memory_space<vmem>>) dst(%dma_wait3A_579 : memref<32xf32, #tpu.memory_space<hbm>>)
      tpu.yield
    }) : () -> ()
    return
  }
}

module attributes {stable_mosaic.version = 14 : i64} {
  func.func @body(%arg0: i32, %arg1: memref<3xf32, #tpu.memory_space<smem>>, %arg2: memref<1024x1xf32, #tpu.memory_space<vmem>>, %arg3: memref<1024x1xf32, #tpu.memory_space<vmem>>, %arg4: memref<1024x1xf32, #tpu.memory_space<vmem>>, %arg5: memref<98x1x1024xf32, #tpu.memory_space<vmem>>, %arg6: memref<98x1x1024xf32, #tpu.memory_space<vmem>>, %arg7: memref<1xf32, #tpu.memory_space<smem>>, %arg8: memref<98x1x1024xf32, #tpu.memory_space<vmem>>, %arg9: memref<1xf32, #tpu.memory_space<smem>>) attributes {dimension_semantics = [#tpu.dimension_semantics<arbitrary>], iteration_bounds = array<i64: 1>, scalar_prefetch = 0 : i64, scratch_operands = 2 : i64, tpu.core_type = #tpu.core_type<tc>, window_params = [{transform_indices = @transform_0, window_bounds = array<i64: 3>}, {transform_indices = @transform_1, window_bounds = array<i64: 1024, 1>}, {transform_indices = @transform_2, window_bounds = array<i64: 1024, 1>}, {transform_indices = @transform_3, window_bounds = array<i64: 1024, 1>}, {pipeline_mode = #tpu.pipeline_mode<synchronous>, transform_indices = @transform_4, window_bounds = array<i64: 98, 1, 1024>}, {pipeline_mode = #tpu.pipeline_mode<synchronous>, transform_indices = @transform_5, window_bounds = array<i64: 98, 1, 1024>}, {transform_indices = @transform_6, window_bounds = array<i64: 1>}]} {
    %get3A = arith.constant 0 : index
    %get3A_0 = arith.constant 0 : index
    %get3A_1 = vector.load %arg2[%get3A, %get3A_0] : memref<1024x1xf32, #tpu.memory_space<vmem>>, vector<1024x1xf32>
    %mul3A = arith.constant 1.44269502 : f32
    %mul3A_2 = vector.broadcast %mul3A : f32 to vector<1024x1xf32>
    %mul3A_3 = arith.mulf %get3A_1, %mul3A_2 : vector<1024x1xf32>
    %get3A_4 = arith.constant 0 : index
    %get3A_5 = memref.load %arg1[%get3A_4] : memref<3xf32, #tpu.memory_space<smem>>
    %mul3A_6 = vector.broadcast %get3A_5 : f32 to vector<1024x1xf32>
    %mul3A_7 = arith.mulf %mul3A_3, %mul3A_6 : vector<1024x1xf32>
    %get3A_8 = arith.constant 1 : index
    %get3A_9 = memref.load %arg1[%get3A_8] : memref<3xf32, #tpu.memory_space<smem>>
    %mul3A_10 = vector.broadcast %get3A_9 : f32 to vector<1024x1xf32>
    %mul3A_11 = arith.mulf %mul3A_3, %mul3A_10 : vector<1024x1xf32>
    %max3A = arith.maximumf %mul3A_7, %mul3A_11 : vector<1024x1xf32>
    %get3A_12 = arith.constant 2 : index
    %get3A_13 = memref.load %arg1[%get3A_12] : memref<3xf32, #tpu.memory_space<smem>>
    %add3A = vector.broadcast %get3A_13 : f32 to vector<1024x1xf32>
    %add3A_14 = arith.addf %max3A, %add3A : vector<1024x1xf32>
    %reduce_max3A = vector.shape_cast %add3A_14 : vector<1024x1xf32> to vector<1x1024x1xf32>
    %reduce_max3A_15 = arith.constant dense<0xFF800000> : vector<1xf32>
    %reduce_max3A_16 = vector.multi_reduction <maximumf>, %reduce_max3A, %reduce_max3A_15 [1, 2] : vector<1x1024x1xf32> to vector<1xf32>
    %reduce_max3A_17 = vector.shape_cast %reduce_max3A_16 : vector<1xf32> to vector<1x1x1xf32>
    %reduce_max3A_18 = vector.extract %reduce_max3A_17[0, 0, 0] : f32 from vector<1x1x1xf32>
    %scan3A = arith.constant 0 : i32
    %scan3A_19 = arith.constant 98 : i32
    %scan3A_20 = arith.addi %scan3A, %scan3A_19 : i32
    %scan3A_21 = arith.constant 1 : i32
    scf.for %scan3A_57 = %scan3A to %scan3A_20 step %scan3A_21  : i32 {
      %get3A_58 = arith.index_cast %scan3A_57 : i32 to index
      %get3A_59 = arith.constant 0 : index
      %get3A_60 = arith.constant 0 : index
      %get3A_61 = vector.load %arg6[%get3A_58, %get3A_59, %get3A_60] : memref<98x1x1024xf32, #tpu.memory_space<vmem>>, vector<1x1x1024xf32>
      %get3A_62 = vector.shape_cast %get3A_61 : vector<1x1x1024xf32> to vector<1x1024xf32>
      %sub3A_63 = vector.broadcast %reduce_max3A_18 : f32 to vector<1x1024xf32>
      %sub3A_64 = arith.subf %get3A_62, %sub3A_63 : vector<1x1024xf32>
      %swap3A_65 = arith.index_cast %scan3A_57 : i32 to index
      %swap3A_66 = arith.constant 0 : index
      %swap3A_67 = arith.constant 0 : index
      %swap3A_68 = vector.load %arg8[%swap3A_65, %swap3A_66, %swap3A_67] : memref<98x1x1024xf32, #tpu.memory_space<vmem>>, vector<1x1x1024xf32>
      %swap3A_69 = vector.shape_cast %swap3A_68 : vector<1x1x1024xf32> to vector<1x1024xf32>
      %swap3A_70 = vector.shape_cast %sub3A_64 : vector<1x1024xf32> to vector<1x1x1024xf32>
      tpu.vector_store %arg8[%swap3A_65, %swap3A_66, %swap3A_67], %swap3A_70 {strides = array<i32>} : memref<98x1x1024xf32, #tpu.memory_space<vmem>>, vector<1x1x1024xf32>,
    }
    %scan3A_22 = arith.constant 98 : i32
    %broadcast_in_dim3A = arith.constant 0.000000e+00 : f32
    %broadcast_in_dim3A_23 = vector.broadcast %broadcast_in_dim3A : f32 to vector<1024x128xf32>
    %scan3A_24 = arith.constant 0 : i32
    %scan3A_25 = arith.constant 98 : i32
    %scan3A_26 = arith.addi %scan3A_24, %scan3A_25 : i32
    %scan3A_27 = arith.constant 1 : i32
    %scan3A_28 = scf.for %scan3A_57 = %scan3A_24 to %scan3A_26 step %scan3A_27 iter_args(%scan3A_58 = %broadcast_in_dim3A_23) -> (vector<1024x128xf32>)  : i32 {
      %get3A_59 = arith.index_cast %scan3A_57 : i32 to index
      %get3A_60 = arith.constant 0 : index
      %get3A_61 = arith.constant 0 : index
      %get3A_62 = vector.load %arg5[%get3A_59, %get3A_60, %get3A_61] : memref<98x1x1024xf32, #tpu.memory_space<vmem>>, vector<1x1x1024xf32>
      %get3A_63 = vector.shape_cast %get3A_62 : vector<1x1x1024xf32> to vector<1x1024xf32>
      %mul3A_64 = vector.broadcast %mul3A_3 : vector<1024x1xf32> to vector<1024x1024xf32>
      %mul3A_65 = vector.broadcast %get3A_63 : vector<1x1024xf32> to vector<1024x1024xf32>
      %mul3A_66 = arith.mulf %mul3A_64, %mul3A_65 : vector<1024x1024xf32>
      %get3A_67 = arith.index_cast %scan3A_57 : i32 to index
      %get3A_68 = arith.constant 0 : index
      %get3A_69 = arith.constant 0 : index
      %get3A_70 = vector.load %arg8[%get3A_67, %get3A_68, %get3A_69] : memref<98x1x1024xf32, #tpu.memory_space<vmem>>, vector<1x1x1024xf32>
      %get3A_71 = vector.shape_cast %get3A_70 : vector<1x1x1024xf32> to vector<1x1024xf32>
      %add3A_72 = vector.broadcast %get3A_71 : vector<1x1024xf32> to vector<1024x1024xf32>
      %add3A_73 = arith.addf %mul3A_66, %add3A_72 : vector<1024x1024xf32>
      %exp23A = math.exp2 %add3A_73 : vector<1024x1024xf32>
      %slice3A = vector.extract_strided_slice %exp23A {offsets = [0, 0], sizes = [1024, 128], strides = [1, 1]} : vector<1024x1024xf32> to vector<1024x128xf32>
      %add3A_74 = arith.addf %scan3A_58, %slice3A : vector<1024x128xf32>
      %slice3A_75 = vector.extract_strided_slice %exp23A {offsets = [0, 128], sizes = [1024, 128], strides = [1, 1]} : vector<1024x1024xf32> to vector<1024x128xf32>
      %add3A_76 = arith.addf %add3A_74, %slice3A_75 : vector<1024x128xf32>
      %slice3A_77 = vector.extract_strided_slice %exp23A {offsets = [0, 256], sizes = [1024, 128], strides = [1, 1]} : vector<1024x1024xf32> to vector<1024x128xf32>
      %add3A_78 = arith.addf %add3A_76, %slice3A_77 : vector<1024x128xf32>
      %slice3A_79 = vector.extract_strided_slice %exp23A {offsets = [0, 384], sizes = [1024, 128], strides = [1, 1]} : vector<1024x1024xf32> to vector<1024x128xf32>
      %add3A_80 = arith.addf %add3A_78, %slice3A_79 : vector<1024x128xf32>
      %slice3A_81 = vector.extract_strided_slice %exp23A {offsets = [0, 512], sizes = [1024, 128], strides = [1, 1]} : vector<1024x1024xf32> to vector<1024x128xf32>
      %add3A_82 = arith.addf %add3A_80, %slice3A_81 : vector<1024x128xf32>
      %slice3A_83 = vector.extract_strided_slice %exp23A {offsets = [0, 640], sizes = [1024, 128], strides = [1, 1]} : vector<1024x1024xf32> to vector<1024x128xf32>
      %add3A_84 = arith.addf %add3A_82, %slice3A_83 : vector<1024x128xf32>
      %slice3A_85 = vector.extract_strided_slice %exp23A {offsets = [0, 768], sizes = [1024, 128], strides = [1, 1]} : vector<1024x1024xf32> to vector<1024x128xf32>
      %add3A_86 = arith.addf %add3A_84, %slice3A_85 : vector<1024x128xf32>
      %slice3A_87 = vector.extract_strided_slice %exp23A {offsets = [0, 896], sizes = [1024, 128], strides = [1, 1]} : vector<1024x1024xf32> to vector<1024x128xf32>
      %add3A_88 = arith.addf %add3A_86, %slice3A_87 : vector<1024x128xf32>
      scf.yield %add3A_88 : vector<1024x128xf32>
    }
    %scan3A_29 = arith.constant 98 : i32
    %reduce_sum3A = arith.constant dense<0.000000e+00> : vector<1024xf32>
    %reduce_sum3A_30 = vector.multi_reduction <add>, %scan3A_28, %reduce_sum3A [1] : vector<1024x128xf32> to vector<1024xf32>
    %broadcast_in_dim3A_31 = vector.shape_cast %reduce_sum3A_30 : vector<1024xf32> to vector<1024x1xf32>
    %mul3A_32 = arith.constant 0.693147182 : f32
    %mul3A_33 = arith.mulf %mul3A_32, %reduce_max3A_18 : f32
    %log3A = math.log %broadcast_in_dim3A_31 : vector<1024x1xf32>
    %add3A_34 = vector.broadcast %mul3A_33 : f32 to vector<1024x1xf32>
    %add3A_35 = arith.addf %add3A_34, %log3A : vector<1024x1xf32>
    %get3A_36 = arith.constant 0 : index
    %get3A_37 = arith.constant 0 : index
    %get3A_38 = vector.load %arg3[%get3A_36, %get3A_37] : memref<1024x1xf32, #tpu.memory_space<vmem>>, vector<1024x1xf32>
    %mul3A_39 = arith.mulf %get3A_1, %get3A_38 : vector<1024x1xf32>
    %get3A_40 = arith.constant 0 : index
    %get3A_41 = arith.constant 0 : index
    %get3A_42 = vector.load %arg4[%get3A_40, %get3A_41] : memref<1024x1xf32, #tpu.memory_space<vmem>>, vector<1024x1xf32>
    %add3A_43 = arith.addf %mul3A_39, %get3A_42 : vector<1024x1xf32>
    %sub3A = arith.subf %add3A_35, %add3A_43 : vector<1024x1xf32>
    %reduce_sum3A_44 = vector.shape_cast %sub3A : vector<1024x1xf32> to vector<1x1024x1xf32>
    %reduce_sum3A_45 = arith.constant dense<0.000000e+00> : vector<1xf32>
    %reduce_sum3A_46 = vector.multi_reduction <add>, %reduce_sum3A_44, %reduce_sum3A_45 [1, 2] : vector<1x1024x1xf32> to vector<1xf32>
    %reduce_sum3A_47 = vector.shape_cast %reduce_sum3A_46 : vector<1xf32> to vector<1x1x1xf32>
    %reduce_sum3A_48 = vector.extract %reduce_sum3A_47[0, 0, 0] : f32 from vector<1x1x1xf32>
    %eq3A = arith.constant 0 : i32
    %eq3A_49 = arith.cmpi eq, %arg0, %eq3A : i32
    %get3A_50 = arith.constant 0 : index
    %get3A_51 = memref.load %arg9[%get3A_50] : memref<1xf32, #tpu.memory_space<smem>>
    %jit3A = arith.constant 0.000000e+00 : f32
    %select_n3A = arith.select %eq3A_49, %jit3A, %get3A_51 : f32
    %add3A_52 = arith.addf %select_n3A, %reduce_sum3A_48 : f32
    %swap3A = arith.constant 0 : index
    %swap3A_53 = memref.load %arg9[%swap3A] : memref<1xf32, #tpu.memory_space<smem>>
    memref.store %add3A_52, %arg9[%swap3A] : memref<1xf32, #tpu.memory_space<smem>>
    %eq3A_54 = arith.constant 0 : i32
    %eq3A_55 = arith.cmpi eq, %arg0, %eq3A_54 : i32
    %convert_element_type3A = arith.extui %eq3A_55 : i1 to i32
    %cond3A = arith.constant 0 : i32
    %cond3A_56 = arith.cmpi ne, %convert_element_type3A, %cond3A : i32
    scf.if %cond3A_56 {
      %div3A = arith.constant 1.024000e+03 : f32
      %div3A_57 = arith.divf %add3A_52, %div3A : f32
      %swap3A_58 = arith.constant 0 : index
      %swap3A_59 = memref.load %arg7[%swap3A_58] : memref<1xf32, #tpu.memory_space<smem>>
      memref.store %div3A_57, %arg7[%swap3A_58] : memref<1xf32, #tpu.memory_space<smem>>
    } else {
    }
    return
  }
  func.func @transform_0(%arg0: i32) -> i32 {
    %c0_i32 = arith.constant 0 : i32
    %c0_i32_0 = arith.constant 0 : i32
    return %c0_i32 : i32
  }
  func.func @transform_1(%arg0: i32) -> (i32, i32) {
    %c0_i32 = arith.constant 0 : i32
    %c0_i32_0 = arith.constant 0 : i32
    return %arg0, %c0_i32 : i32, i32
  }
  func.func @transform_2(%arg0: i32) -> (i32, i32) {
    %c0_i32 = arith.constant 0 : i32
    %c0_i32_0 = arith.constant 0 : i32
    return %arg0, %c0_i32 : i32, i32
  }
  func.func @transform_3(%arg0: i32) -> (i32, i32) {
    %c0_i32 = arith.constant 0 : i32
    %c0_i32_0 = arith.constant 0 : i32
    return %arg0, %c0_i32 : i32, i32
  }
  func.func @transform_4(%arg0: i32) -> (i32, i32, i32) {
    %c0_i32 = arith.constant 0 : i32
    %c0_i32_0 = arith.constant 0 : i32
    %c0_i32_1 = arith.constant 0 : i32
    %c0_i32_2 = arith.constant 0 : i32
    return %c0_i32, %c0_i32_0, %c0_i32_1 : i32, i32, i32
  }
  func.func @transform_5(%arg0: i32) -> (i32, i32, i32) {
    %c0_i32 = arith.constant 0 : i32
    %c0_i32_0 = arith.constant 0 : i32
    %c0_i32_1 = arith.constant 0 : i32
    %c0_i32_2 = arith.constant 0 : i32
    return %c0_i32, %c0_i32_0, %c0_i32_1 : i32, i32, i32
  }
  func.func @transform_6(%arg0: i32) -> i32 {
    %c0_i32 = arith.constant 0 : i32
    %c0_i32_0 = arith.constant 0 : i32
    return %c0_i32 : i32
  }
}

module attributes {stable_mosaic.version = 14 : i64} {
  func.func @body(%arg0: i32, %arg1: memref<1x1x1024xf32, #tpu.memory_space<vmem>>, %arg2: memref<1x1x1024xf32, #tpu.memory_space<vmem>>, %arg3: memref<1x1x1024xf32, #tpu.memory_space<vmem>>, %arg4: memref<3xf32, #tpu.memory_space<smem>>) attributes {dimension_semantics = [#tpu.dimension_semantics<arbitrary>], iteration_bounds = array<i64: 98>, scalar_prefetch = 0 : i64, scratch_operands = 0 : i64, tpu.core_type = #tpu.core_type<tc>, window_params = [{transform_indices = @transform_0, window_bounds = array<i64: 1, 1, 1024>}, {transform_indices = @transform_1, window_bounds = array<i64: 1, 1, 1024>}, {transform_indices = @transform_2, window_bounds = array<i64: 1, 1, 1024>}, {transform_indices = @transform_3, window_bounds = array<i64: 3>}]} {
    %get3A = arith.constant 0 : index
    %get3A_0 = arith.constant 0 : index
    %get3A_1 = arith.constant 0 : index
    %get3A_2 = vector.load %arg1[%get3A, %get3A_0, %get3A_1] : memref<1x1x1024xf32, #tpu.memory_space<vmem>>, vector<1x1x1024xf32>
    %get3A_3 = arith.constant 0 : index
    %get3A_4 = arith.constant 0 : index
    %get3A_5 = arith.constant 0 : index
    %get3A_6 = vector.load %arg2[%get3A_3, %get3A_4, %get3A_5] : memref<1x1x1024xf32, #tpu.memory_space<vmem>>, vector<1x1x1024xf32>
    %mul3A = arith.constant 1.44269502 : f32
    %mul3A_7 = vector.broadcast %mul3A : f32 to vector<1x1x1024xf32>
    %mul3A_8 = arith.mulf %get3A_6, %mul3A_7 : vector<1x1x1024xf32>
    %swap3A = arith.constant 0 : index
    %swap3A_9 = arith.constant 0 : index
    %swap3A_10 = arith.constant 0 : index
    %swap3A_11 = vector.load %arg3[%swap3A, %swap3A_9, %swap3A_10] : memref<1x1x1024xf32, #tpu.memory_space<vmem>>, vector<1x1x1024xf32>
    tpu.vector_store %arg3[%swap3A, %swap3A_9, %swap3A_10], %mul3A_8 {strides = array<i32>} : memref<1x1x1024xf32, #tpu.memory_space<vmem>>, vector<1x1x1024xf32>,
    %mul3A_12 = arith.constant 1024 : i32
    %mul3A_13 = arith.muli %arg0, %mul3A_12 : i32
    %iota3A = tpu.iota {dimensions = array<i32: 2>} : vector<1x1x1024xi32>
    %add3A = vector.broadcast %mul3A_13 : i32 to vector<1x1x1024xi32>
    %add3A_14 = arith.addi %add3A, %iota3A : vector<1x1x1024xi32>
    %lt3A = arith.constant 100000 : i32
    %lt3A_15 = vector.broadcast %lt3A : i32 to vector<1x1x1024xi32>
    %lt3A_16 = arith.cmpi slt, %add3A_14, %lt3A_15 : vector<1x1x1024xi32>
    %jit3A = arith.constant -3.000000e+38 : f32
    %broadcast_in_dim3A = vector.broadcast %jit3A : f32 to vector<1x1x1024xf32>
    %select_n3A = arith.select %lt3A_16, %get3A_2, %broadcast_in_dim3A : vector<1x1x1024xi1>, vector<1x1x1024xf32>
    %reduce_max3A = vector.shape_cast %select_n3A : vector<1x1x1024xf32> to vector<1x1x1x1024xf32>
    %reduce_max3A_17 = arith.constant dense<0xFF800000> : vector<1xf32>
    %reduce_max3A_18 = vector.multi_reduction <maximumf>, %reduce_max3A, %reduce_max3A_17 [1, 2, 3] : vector<1x1x1x1024xf32> to vector<1xf32>
    %reduce_max3A_19 = vector.shape_cast %reduce_max3A_18 : vector<1xf32> to vector<1x1x1x1xf32>
    %reduce_max3A_20 = vector.extract %reduce_max3A_19[0, 0, 0, 0] : f32 from vector<1x1x1x1xf32>
    %jit3A_21 = arith.constant 3.000000e+38 : f32
    %broadcast_in_dim3A_22 = vector.broadcast %jit3A_21 : f32 to vector<1x1x1024xf32>
    %select_n3A_23 = arith.select %lt3A_16, %get3A_2, %broadcast_in_dim3A_22 : vector<1x1x1024xi1>, vector<1x1x1024xf32>
    %reduce_min3A = vector.shape_cast %select_n3A_23 : vector<1x1x1024xf32> to vector<1x1x1x1024xf32>
    %reduce_min3A_24 = arith.constant dense<0x7F800000> : vector<1xf32>
    %reduce_min3A_25 = vector.multi_reduction <minimumf>, %reduce_min3A, %reduce_min3A_24 [1, 2, 3] : vector<1x1x1x1024xf32> to vector<1xf32>
    %reduce_min3A_26 = vector.shape_cast %reduce_min3A_25 : vector<1xf32> to vector<1x1x1x1xf32>
    %reduce_min3A_27 = vector.extract %reduce_min3A_26[0, 0, 0, 0] : f32 from vector<1x1x1x1xf32>
    %jit3A_28 = arith.constant -3.000000e+38 : f32
    %broadcast_in_dim3A_29 = vector.broadcast %jit3A_28 : f32 to vector<1x1x1024xf32>
    %select_n3A_30 = arith.select %lt3A_16, %mul3A_8, %broadcast_in_dim3A_29 : vector<1x1x1024xi1>, vector<1x1x1024xf32>
    %reduce_max3A_31 = vector.shape_cast %select_n3A_30 : vector<1x1x1024xf32> to vector<1x1x1x1024xf32>
    %reduce_max3A_32 = arith.constant dense<0xFF800000> : vector<1xf32>
    %reduce_max3A_33 = vector.multi_reduction <maximumf>, %reduce_max3A_31, %reduce_max3A_32 [1, 2, 3] : vector<1x1x1x1024xf32> to vector<1xf32>
    %reduce_max3A_34 = vector.shape_cast %reduce_max3A_33 : vector<1xf32> to vector<1x1x1x1xf32>
    %reduce_max3A_35 = vector.extract %reduce_max3A_34[0, 0, 0, 0] : f32 from vector<1x1x1x1xf32>
    %eq3A = arith.constant 0 : i32
    %eq3A_36 = arith.cmpi eq, %arg0, %eq3A : i32
    %get3A_37 = arith.constant 0 : index
    %get3A_38 = memref.load %arg4[%get3A_37] : memref<3xf32, #tpu.memory_space<smem>>
    %jit3A_39 = arith.constant -3.000000e+38 : f32
    %select_n3A_40 = arith.select %eq3A_36, %jit3A_39, %get3A_38 : f32
    %max3A = arith.maximumf %select_n3A_40, %reduce_max3A_20 : f32
    %swap3A_41 = arith.constant 0 : index
    %swap3A_42 = memref.load %arg4[%swap3A_41] : memref<3xf32, #tpu.memory_space<smem>>
    memref.store %max3A, %arg4[%swap3A_41] : memref<3xf32, #tpu.memory_space<smem>>
    %get3A_43 = arith.constant 1 : index
    %get3A_44 = memref.load %arg4[%get3A_43] : memref<3xf32, #tpu.memory_space<smem>>
    %jit3A_45 = arith.constant 3.000000e+38 : f32
    %select_n3A_46 = arith.select %eq3A_36, %jit3A_45, %get3A_44 : f32
    %min3A = arith.minimumf %select_n3A_46, %reduce_min3A_27 : f32
    %swap3A_47 = arith.constant 1 : index
    %swap3A_48 = memref.load %arg4[%swap3A_47] : memref<3xf32, #tpu.memory_space<smem>>
    memref.store %min3A, %arg4[%swap3A_47] : memref<3xf32, #tpu.memory_space<smem>>
    %get3A_49 = arith.constant 2 : index
    %get3A_50 = memref.load %arg4[%get3A_49] : memref<3xf32, #tpu.memory_space<smem>>
    %jit3A_51 = arith.constant -3.000000e+38 : f32
    %select_n3A_52 = arith.select %eq3A_36, %jit3A_51, %get3A_50 : f32
    %max3A_53 = arith.maximumf %select_n3A_52, %reduce_max3A_35 : f32
    %swap3A_54 = arith.constant 2 : index
    %swap3A_55 = memref.load %arg4[%swap3A_54] : memref<3xf32, #tpu.memory_space<smem>>
    memref.store %max3A_53, %arg4[%swap3A_54] : memref<3xf32, #tpu.memory_space<smem>>
    return
  }
  func.func @transform_0(%arg0: i32) -> (i32, i32, i32) {
    %c0_i32 = arith.constant 0 : i32
    %c0_i32_0 = arith.constant 0 : i32
    %c0_i32_1 = arith.constant 0 : i32
    return %arg0, %c0_i32, %c0_i32_0 : i32, i32, i32
  }
  func.func @transform_1(%arg0: i32) -> (i32, i32, i32) {
    %c0_i32 = arith.constant 0 : i32
    %c0_i32_0 = arith.constant 0 : i32
    %c0_i32_1 = arith.constant 0 : i32
    return %arg0, %c0_i32, %c0_i32_0 : i32, i32, i32
  }
  func.func @transform_2(%arg0: i32) -> (i32, i32, i32) {
    %c0_i32 = arith.constant 0 : i32
    %c0_i32_0 = arith.constant 0 : i32
    %c0_i32_1 = arith.constant 0 : i32
    return %arg0, %c0_i32, %c0_i32_0 : i32, i32, i32
  }
  func.func @transform_3(%arg0: i32) -> i32 {
    %c0_i32 = arith.constant 0 : i32
    %c0_i32_0 = arith.constant 0 : i32
    return %c0_i32 : i32
  }
}

</mosaic_0001>

<sc_bundles>
// kernel: kernel.5.cloned.1.call-start
scs
__scs_entry_jumppad:
0x0: {  	(pc) =	sbr.rel $0x88, $3  }
0x1: {  	(tag) =	ssettag $0x0;
	lr =	simm.s32 $0x1  }
0x2: {  	[smem:$0x3F9C] =	sst lr;
	_ =	strace $0xD0000000  }
0x3: {  	_ = 	snop  }
0x4: {  	_ = 	snop  }
0x5: {  	_ = 	snop  }
0x6: {  	_ = 	snop  }
0x7: {  	_ = 	snop  }
__scs_overlays_trampoline_lowered:
0x8: {  	[smem:$0x3FAB] =	sst s0  }
0x9: {  	[smem:$0x3FAC] =	sst s1  }
0xa: {  	[smem:$0x3FAD] =	sst s2  }
0xb: {  	[smem:$0x3FAE] =	sst s3  }
0xc: {  	[smem:$0x3FAF] =	sst s4  }
0xd: {  	[smem:$0x3FB0] =	sst s5  }
0xe: {  	[smem:$0x3FB1] =	sst s6  }
0xf: {  	[smem:$0x3FB2] =	sst s7  }
0x10: {  	[smem:$0x3FB3] =	sst s8  }
0x11: {  	[smem:$0x3FB4] =	sst s9;
	s0 =	simm.s32 @!p0 $0x0  }
0x12: {  	s1 =	sld [smem:$0x3F9A];
	s0 =	simm.s32 @p0 $0x1  }
0x13: {  	[smem:$0x3FB5] =	sst s0;
	s0 =	simm.s32 @!p1 $0x0  }
0x14: {  	s2 =	sld [smem:$0x3F99];
	s0 =	simm.s32 @p1 $0x1  }
0x15: {  	[smem:$0x3FB6] =	sst s0;
	s0 =	simm.s32 @!p2 $0x0  }
0x16: {  	s3 =	sld [smem:$0x3FDB];
	s0 =	simm.s32 @p2 $0x1  }
0x17: {  	s4 =	simm.s32 $0x1BF5;
	[smem:$0x3FB8] =	sst s0  }
0x18: {  	s0 =	sld [smem:$0x3F9B];
	_ =	swait.ge [sflag:s4], $0x0  }
0x19: {  	s7 =	sld [smem:$0x3F9C]  }
0x1a: {  	s8 =	sadd.s32 $0xFFFFE003, lr  }
0x1b: {  	s9 =	sadd.s32 $0xFFFFFEF7, lr;
	s5 =	simm.s32 $0xFFFFFFFF;
	p2 =	slt.u32 s8, $0xFFFFF086  }
0x1c: {  	p1 =	slt.u32 s9, $0xF7A;
	s5 =	simm.s32 @!p2 $0x0  }
0x1d: {  	s5 =	simm.s32 @p1 $0x1;
	p0 =	seq.s32 s7, s2  }
0x1e: {  	s7 =	smul.u32 @!p0 $0xF7A, s2;
	p2 =	seq.s32 @!p0 s5, $0x0  }
0x1f: {  	s9 =	smul.u32 $0xF7A, s1;
	s8 =	simm.s32 @!p0 $0x1BF5;
	p2 =	por !p2, p0  }
0x20: {  	[sflag:s8] =	ssyncset.s32 @!p0 $0xFFFFF086;
	s6 =	sadd.s32 @!p0 s3, s7;
	s7 =	simm.s32 @!p0 $0x108  }
0x21: {  	s3 =	sadd.s32 s3, s9;
	s6 =	sadd.s32 @!p0 $0x88, s6;
	s7 =	simm.s32 @p2 $0x1082  }
0x22: {  	[simem:s7], [sflag:s8] =	dma.local @!p0 [hbm:s6], $0xF7A  }
0x23: {  	s9 =	sor.u32 $0xD0000000, s2;
	s6 =	simm.s32 $0x108;
	_ =	swait.ge @!p0 [sflag:s8], $0x0  }
0x24: {  	s3 =	sadd.s32 $0x88, s3;
	s6 =	simm.s32 @!p1 $0x1082;
	[sflag:s4] =	ssyncset.s32 $0xFFFFF086  }
0x25: {  	[simem:s6], [sflag:s4] =	dma.local [hbm:s3], $0xF7A  }
0x26: {  	[smem:$0x3F9C] =	sst s1;
	(tag) =	ssettag s2;
	_ =	strace s9  }
0x27: {  	s1 =	sld [smem:$0x3FAC]  }
0x28: {  	s2 =	sld [smem:$0x3FAD]  }
0x29: {  	s4 =	sld [smem:$0x3FAF]  }
0x2a: {  	p0 =	seq.s32 s5, $0x0;
	s5 =	sld [smem:$0x3FB0]  }
0x2b: {  	s6 =	sld [smem:$0x3FB1]  }
0x2c: {  	s7 =	sld [smem:$0x3FB2]  }
0x2d: {  	s3 =	simm.s32 $0x108;
	s8 =	sld [smem:$0x3FB3]  }
0x2e: {  	s3 =	simm.s32 @!p0 $0x1082;
	s9 =	sld [smem:$0x3FB4]  }
0x2f: {  	lr =	sadd.s32 s0, s3;
	s0 =	sld [smem:$0x3FAB]  }
0x30: {  	s3 =	sld [smem:$0x3FAE]  }
0x31: {  	[smem:$0x3FB7] =	sst s10  }
0x32: {  	s10 =	sld [smem:$0x3FB5];
	_ =	sdelay $0x3  }
0x33: {  	p0 =	seq.s32 s10, $0x1;
	s10 =	sld [smem:$0x3FB7];
	_ =	sdelay $0x3  }
0x34: {  	[smem:$0x3FB7] =	sst s10  }
0x35: {  	s10 =	sld [smem:$0x3FB6];
	_ =	sdelay $0x3  }
0x36: {  	p1 =	seq.s32 s10, $0x1;
	s10 =	sld [smem:$0x3FB7];
	_ =	sdelay $0x3  }
0x37: {  	[smem:$0x3FB7] =	sst s10  }
0x38: {  	s10 =	sld [smem:$0x3FB8]  }
0x39: {  	_ = 	snop;
	(pc) =	sbr.ind lr, $3  }
0x3a: {  	_ = 	snop  }
0x3b: {  	_ = 	snop  }
0x3c: {  	p2 =	seq.s32 s10, $0x1;
	s10 =	sld [smem:$0x3FB7]  }
0x3d: {  	_ =	shalt  }
0x3e: {  	_ =	shalt  }
0x3f: {  	_ =	shalt  }
0x40: {  	_ =	shalt  }
0x41: {  	_ =	shalt  }
0x42: {  	_ =	shalt  }
0x43: {  	_ =	shalt  }
0x44: {  	_ =	shalt  }
0x45: {  	_ =	shalt  }
0x46: {  	_ =	shalt  }
0x47: {  	_ =	shalt  }
0x48: {  	_ =	shalt  }
0x49: {  	_ =	shalt  }
0x4a: {  	_ =	shalt  }
0x4b: {  	_ =	shalt  }
0x4c: {  	_ =	shalt  }
0x4d: {  	_ =	shalt  }
0x4e: {  	_ =	shalt  }
0x4f: {  	_ =	shalt  }
0x50: {  	_ =	shalt  }
0x51: {  	_ =	shalt  }
0x52: {  	_ =	shalt  }
0x53: {  	_ =	shalt  }
0x54: {  	_ =	shalt  }
0x55: {  	_ =	shalt  }
0x56: {  	_ =	shalt  }
0x57: {  	_ =	shalt  }
0x58: {  	_ =	shalt  }
0x59: {  	_ =	shalt  }
0x5a: {  	_ =	shalt  }
0x5b: {  	_ =	shalt  }
0x5c: {  	_ =	shalt  }
0x5d: {  	_ =	shalt  }
0x5e: {  	_ =	shalt  }
0x5f: {  	_ =	shalt  }
0x60: {  	_ =	shalt  }
0x61: {  	_ =	shalt  }
0x62: {  	_ =	shalt  }
0x63: {  	_ =	shalt  }
0x64: {  	_ =	shalt  }
0x65: {  	_ =	shalt  }
0x66: {  	_ =	shalt  }
0x67: {  	_ =	shalt  }
0x68: {  	_ =	shalt  }
0x69: {  	_ =	shalt  }
0x6a: {  	_ =	shalt  }
0x6b: {  	_ =	shalt  }
0x6c: {  	_ =	shalt  }
0x6d: {  	_ =	shalt  }
0x6e: {  	_ =	shalt  }
0x6f: {  	_ =	shalt  }
0x70: {  	_ =	shalt  }
0x71: {  	_ =	shalt  }
0x72: {  	_ =	shalt  }
0x73: {  	_ =	shalt  }
0x74: {  	_ =	shalt  }
0x75: {  	_ =	shalt  }
0x76: {  	_ =	shalt  }
0x77: {  	_ =	shalt  }
0x78: {  	_ =	shalt  }
0x79: {  	_ =	shalt  }
0x7a: {  	_ =	shalt  }
0x7b: {  	_ =	shalt  }
0x7c: {  	_ =	shalt  }
0x7d: {  	_ =	shalt  }
0x7e: {  	_ =	shalt  }
0x7f: {  	_ =	shalt  }
0x80: {  	_ =	shalt  }
0x81: {  	_ =	shalt  }
0x82: {  	_ =	shalt  }
0x83: {  	_ =	shalt  }
0x84: {  	_ =	shalt  }
0x85: {  	_ =	shalt  }
0x86: {  	_ =	shalt  }
0x87: {  	_ =	shalt  }
.Lfunc_end0:
.L_simem_size_0:
called_computation_lowered:
.L_overlay_start_0:
0x88: {  	s2 =	sld [smem:$0x3FD9]  }
0x89: {  	s3 =	sld [smem:$0x3FFE];
	_ =	sdelay $0x1  }
0x8a: {  	s1 =	srdreg.scid  }
0x8b: {  	s0 =	sand.u32 $0x1, s1  }
0x8c: {  	s17 =	sshll.u32 s0, $0xA;
	s2 =	sadd.s32 s3, s2  }
0x8d: {  	s2 =	sadd.s32 s2, s17  }
0x8e: {  	[smem:$0x3FC3] =	sst s2  }
0x8f: {  	_ = 	snop  }
0x90: {  	s2 =	sld [smem:$0x3FC9]  }
0x91: {  	s18 =	sld [smem:$0x3FC5];
	(tm) =	ssettm $0x1  }
0x92: {  	s4 =	sld [smem:$0x3FFB];
	_ =	sdelay $0x3  }
0x93: {  	_ =	strace s4  }
0x94: {  	s4 =	sld [smem:$0x3FFC];
	_ =	sdelay $0x3  }
0x95: {  	_ =	strace s4  }
0x96: {  	s4 =	sld [smem:$0x3FFD];
	_ =	sdelay $0x3  }
0x97: {  	_ =	strace s4  }
0x98: {  	_ =	strace $0x8FFFFFFF  }
0x99: {  	s19 =	sld [smem:$0x3FDB];
	_ =	sdelay $0x1  }
0x9a: {  	s5 =	simm.s32 $_scs_section_size  }
0x9b: {  	s6 =	simm.s32 $_size__tile_overlayer_lowered;
	s7 =	simm.s32 $_tile_overlayer_lowered  }
0x9c: {  	s22 =	simm.s32 $0x1BFF;
	s21 =	sshll.u32 s7, $0x1;
	s4 =	sadd.s32 s5, s19  }
0x9d: {  	s8 =	simm.s32 $0x0;
	s20 =	sshll.u32 s6, $0x1;
	s6 =	sadd.s32 s21, s4  }
0x9e: {  	[timem:s8], [sflag:s22] =	dma.local [hbm:s6], s20  }
0x9f: {  	_ =	swait.ge [sflag:s22], s20  }
0xa0: {  	s5 =	ssub.s32 $0x0, s20;
	[sflag:s22] =	ssyncset.done $0x0  }
0xa1: {  	[sflag:s22] =	ssyncadd.s32 s5;
	_ =	sdelay $0x1  }
0xa2: {  	s23 =	simm.s32 $0x1B8B  }
0xa3: {  	_ =	swait.ge [sflag:s23], $0x1  }
0xa4: {  	[sflag:s23] =	ssyncset.done $0x0  }
0xa5: {  	s25 =	simm.s32 $0x1B8E;
	s24 =	sld [smem:$0x3FFE];
	[sflag:s23] =	ssyncadd.s32 $0xFFFFFFFF  }
0xa6: {  	s26 =	simm.s32 $execute0_lowered;
	[smem:$0x3FD2] =	sst s25  }
0xa7: {  	s6 =	sshll.u32 s26, $0x1;
	_ =	strace $0x80000046;
	[dreg:$0x1] =	wrdreg $0xFFFFFFFF  }
0xa8: {  	s28 =	simm.s32 $_size_execute0_lowered;
	s4 =	sadd.s32 s4, s6;
	[dreg:$0x0] =	wrdreg $0x0  }
0xa9: {  	s6 =	sshll.u32 s28, $0x1;
	[dreg:$0x2] =	wrdreg s4  }
0xaa: {  	[dreg:$0x3] =	wrdreg s6  }
0xab: {  	[dreg:$0x4] =	wrdreg $0xC0  }
0xac: {  	_ =	task [dreg:s8], $0x5FFFF  }
0xad: {  	[dreg:$0x1] =	wrdreg $0xFFFFFFFF  }
0xae: {  	[dreg:$0x0] =	wrdreg $0x60  }
0xaf: {  	[dreg:$0x2] =	wrdreg s24  }
0xb0: {  	[dreg:$0x3] =	wrdreg s2  }
0xb1: {  	[dreg:$0x4] =	wrdreg s18  }
0xb2: {  	[dreg:$0x5] =	wrdreg $0x9  }
0xb3: {  	_ =	task.clear_ibuf [dreg:s8], $0x6FFFF;
	_ =	strace $0x90000046  }
0xb4: {  	s29 =	simm.s32 $0x9;
	_ =	strace $0x80000048  }
0xb5: {  	_ =	swait.ge [sflag:s29], $0x1  }
0xb6: {  	[sflag:s29] =	ssyncadd.s32 $0xFFFFFFFF  }
0xb7: {  	_ =	strace $0x90000048  }
0xb8: {  	_ =	sfence  }
0xb9: {  	s30 =	sld [smem:$0x0];
	_ =	sdelay $0x2  }
0xba: {  	s31 =	sshll.u32 s1, $0xD;
	s1 =	sshrl.u32 s1, $0x2  }
0xbb: {  	s3 =	sand.u32 $0x4000, s31;
	s1 =	sadd.s32 s1, s30  }
0xbc: {  	s0 =	sor.u32 s3, s0;
	s1 =	sshll.u32 s1, $0x11  }
0xbd: {  	s0 =	sor.u32 s1, s0  }
0xbe: {  	s0 =	sadd.s32 $0x8F2B, s0  }
0xbf: {  	[sflag:s0] =	ssyncadd.remote.s32 $0x1  }
0xc0: {  	_ =	sfence.sel $0xFFFF  }
0xc1: {  	[dreg:$0x0] =	wrdreg $0xFFFFFFFF;
	(pc) =	sbr.abs _section_cstart, $3  }
0xc2: {  	[dreg:$0x1] =	wrdreg $0xFFFFFFFF  }
0xc3: {  	_ =	task.clear_ibuf [dreg:s8], $0x2FFFF;
	_ =	strace $0x9FFFFFFF  }
0xc4: {  	(tm) =	ssettm $0x7FFFFFFF  }
0xc5: {  	_ =	shalt  }
tec
execute0_lowered:
.L_overlay_start_1:
0x0: {  	(tag) =	ssettag $0x1  }
0x1: {  	s0 =	rddreg [dreg:$0x0]  }
0x2: {  	s3 =	rddreg [dreg:$0x1]  }
0x3: {  	s2 =	rddreg [dreg:$0x2]  }
0x4: {  	s1 =	srdreg.scid;
	[dreg:$0x5] =	wrdreg s2;
	s2 =	simm.s32 $0x0  }
0x5: {  	s4 =	stileid.u32;
	s6 =	sadd.s32 $0x2600, s0;
	[smem:$0x7FF] =	sst s2  }
0x6: {  	s14 =	simm.s32 $0x680;
	_ =	strace $0x80000047;
	[dreg:$0x4] =	wrdreg s6  }
0x7: {  	s15 =	simm.s32 $0x700;
	s16 =	simm.s32 $0x100;
	[dreg:$0xb] =	wrdreg s14  }
0x8: {  	s17 =	simm.s32 $0x780;
	s18 =	simm.s32 $0x180;
	[dreg:$0xc] =	wrdreg s15  }
0x9: {  	s1 =	sand.u32 $0x1, s1;
	s4 =	sshll.u32 s4, $0x1;
	[dreg:$0xd] =	wrdreg s16  }
0xa: {  	s20 =	simm.s32 $0x800;
	s4 =	sor.u32 s1, s4;
	[dreg:$0xe] =	wrdreg s17  }
0xb: {  	s5 =	smul.u32 $0xC8, s4;
	s4 =	sshll.u32 s4, $0x2;
	[dreg:$0xf] =	wrdreg s18  }
0xc: {  	[dreg:$0x10] =	wrdreg s20;
	s10 =	sadd.s32 s4, s0;
	s3 =	sadd.s32 s3, s4  }
0xd: {  	[dreg:$0x7] =	wrdreg s3;
	s11 =	sadd.s32 $0x8A00, s10  }
0xe: {  	s12 =	sadd.s32 $0x8C00, s10;
	[dreg:$0x8] =	wrdreg s11  }
0xf: {  	s5 =	sadd.s32 s5, s0;
	s13 =	sadd.s32 $0x8E00, s10;
	[dreg:$0x9] =	wrdreg s12  }
0x10: {  	s5 =	sadd.s32 $0xC00, s5;
	[dreg:$0xa] =	wrdreg s13  }
0x11: {  	[dreg:$0x6] =	wrdreg s5  }
0x12: {  	s3 =	simm.s32 $0x2;
	s19 =	rddreg [dreg:$0x6]  }
0x13: {  	[tilespmem:s2], [sflag:$0x2] =	stream.linear.gather [hbm4b:s19+s2], $0x640, $0x38;
	[tilespmem:$0xF00] =	vst v63  }
0x14: {  	_ =	swait.ge [sflag:s3], $0x640  }
0x15: {  	s21 =	rddreg [dreg:$0xb]  }
0x16: {  	s4 =	sadd.s32 $0x5800, s0;
	s7 =	rddreg [dreg:$0xc];
	[sflag:s3] =	ssyncset.done $0x0  }
0x17: {  	s5 =	simm.s32 $0x80;
	s22 =	rddreg [dreg:$0xe];
	[sflag:s3] =	ssyncadd.s32 $0xFFFFF9C0  }
0x18: {  	[tilespmem:s21], [sflag:$0x1] =	stream.indirect.gather [hbm4b:s4+s5], $0x1, s2, s5, $0xb8;
	[tilespmem:$0xF00] =	vst v63  }
0x19: {  	s8 =	rddreg [dreg:$0xd]  }
0x1a: {  	[tilespmem:s7], [sflag:$0x1] =	stream.indirect.gather [hbm4b:s4+s5], $0x1, s5, s5, $0xb8;
	[tilespmem:$0xF00] =	vst v63  }
0x1b: {  	s23 =	rddreg [dreg:$0xf]  }
0x1c: {  	[tilespmem:s22], [sflag:$0x1] =	stream.indirect.gather [hbm4b:s4+s5], $0x1, s8, s5, $0xb8;
	[tilespmem:$0xF00] =	vst v63  }
0x1d: {  	s24 =	rddreg [dreg:$0x10]  }
0x1e: {  	[tilespmem:s24], [sflag:$0x1] =	stream.indirect.gather [hbm4b:s4+s5], $0x1, s23, s5, $0xb8;
	[tilespmem:$0xF00] =	vst v63  }
0x1f: {  	s25 =	simm.s32 $0x200;
	s26 =	simm.s32 $0x880  }
0x20: {  	[tilespmem:s26], [sflag:$0x1] =	stream.indirect.gather [hbm4b:s4+s5], $0x1, s25, s5, $0xb8;
	[tilespmem:$0xF00] =	vst v63  }
0x21: {  	s9 =	simm.s32 $0x900;
	s6 =	simm.s32 $0x280  }
0x22: {  	[tilespmem:s9], [sflag:$0x1] =	stream.indirect.gather [hbm4b:s4+s5], $0x1, s6, s5, $0xb8;
	[tilespmem:$0xF00] =	vst v63  }
0x23: {  	s10 =	simm.s32 $0x300;
	s11 =	simm.s32 $0x980  }
0x24: {  	[tilespmem:s11], [sflag:$0x1] =	stream.indirect.gather [hbm4b:s4+s5], $0x1, s10, s5, $0xb8;
	[tilespmem:$0xF00] =	vst v63  }
0x25: {  	s12 =	simm.s32 $0x380;
	s13 =	simm.s32 $0xA00  }
0x26: {  	[tilespmem:s13], [sflag:$0x1] =	stream.indirect.gather [hbm4b:s4+s5], $0x1, s12, s5, $0xb8;
	[tilespmem:$0xF00] =	vst v63  }
0x27: {  	s14 =	simm.s32 $0x400;
	s15 =	simm.s32 $0xA80  }
0x28: {  	[tilespmem:s15], [sflag:$0x1] =	stream.indirect.gather [hbm4b:s4+s5], $0x1, s14, s5, $0xb8;
	[tilespmem:$0xF00] =	vst v63  }
0x29: {  	s16 =	simm.s32 $0x480;
	s17 =	simm.s32 $0xB00  }
0x2a: {  	[tilespmem:s17], [sflag:$0x1] =	stream.indirect.gather [hbm4b:s4+s5], $0x1, s16, s5, $0xb8;
	[tilespmem:$0xF00] =	vst v63  }
0x2b: {  	s18 =	simm.s32 $0x500;
	s19 =	simm.s32 $0xB80  }
0x2c: {  	[tilespmem:s19], [sflag:$0x1] =	stream.indirect.gather [hbm4b:s4+s5], $0x1, s18, s5, $0xb8;
	[tilespmem:$0xF00] =	vst v63  }
0x2d: {  	s20 =	simm.s32 $0x580;
	s21 =	simm.s32 $0xC00  }
0x2e: {  	[tilespmem:s21], [sflag:$0x1] =	stream.indirect.gather [hbm4b:s4+s5], $0x1, s20, s5, $0xb8;
	[tilespmem:$0xF00] =	vst v63  }
0x2f: {  	s22 =	simm.s32 $0x40;
	s23 =	simm.s32 $0x600;
	s24 =	simm.s32 $0xC80  }
0x30: {  	[tilespmem:s24], [sflag:$0x1] =	stream.indirect.gather [hbm4b:s4+s22], $0x1, s23, s22, $0xb8;
	[tilespmem:$0xF00] =	vst v63  }
0x31: {  	s7 =	rddreg [dreg:$0x7];
	s25 =	simm.s32 $0xD00  }
0x32: {  	[tilespmem:s25], [sflag:$0x2] =	stream.linear.gather [hbm4b:s7+s2], $0x20, $0x38;
	[tilespmem:$0xF00] =	vst v63  }
0x33: {  	_ =	swait.ge [sflag:s3], $0x20  }
0x34: {  	s28 =	simm.s32 $0xE00;
	[sflag:s3] =	ssyncset.done $0x0  }
0x35: {  	s26 =	simm.s32 $0x20;
	s8 =	rddreg [dreg:$0x4];
	[sflag:s3] =	ssyncadd.s32 $0xFFFFFFE0  }
0x36: {  	[tilespmem:s28], [sflag:$0x1] =	stream.indirect.gather [hbm4b:s8+s26], $0x1, s25, s26, $0xb8;
	[tilespmem:$0xF00] =	vst v63  }
0x37: {  	s29 =	simm.s32 $0xE80;
	s30 =	rddreg [dreg:$0x5]  }
0x38: {  	[tilespmem:s29], [sflag:$0x1] =	stream.indirect.gather [hbm4b:s30+s26], $0x1, s25, s26, $0xb8;
	[tilespmem:$0xF00] =	vst v63  }
0x39: {  	s30 =	simm.s32 $0x1  }
0x3a: {  	_ =	swait.ge [sflag:s30], $0x80  }
0x3b: {  	[sflag:s30] =	ssyncset.done $0x0  }
0x3c: {  	[sflag:s30] =	ssyncadd.s32 $0xFFFFFF80  }
0x3d: {  	_ =	swait.ge [sflag:s30], $0x80  }
0x3e: {  	[sflag:s30] =	ssyncset.done $0x0  }
0x3f: {  	[sflag:s30] =	ssyncadd.s32 $0xFFFFFF80  }
0x40: {  	_ =	swait.ge [sflag:s30], $0x80  }
0x41: {  	[sflag:s30] =	ssyncset.done $0x0  }
0x42: {  	[sflag:s30] =	ssyncadd.s32 $0xFFFFFF80  }
0x43: {  	_ =	swait.ge [sflag:s30], $0x80  }
0x44: {  	[sflag:s30] =	ssyncset.done $0x0  }
0x45: {  	[sflag:s30] =	ssyncadd.s32 $0xFFFFFF80  }
0x46: {  	_ =	swait.ge [sflag:s30], $0x80  }
0x47: {  	[sflag:s30] =	ssyncset.done $0x0  }
0x48: {  	[sflag:s30] =	ssyncadd.s32 $0xFFFFFF80  }
0x49: {  	_ =	swait.ge [sflag:s30], $0x80  }
0x4a: {  	[sflag:s30] =	ssyncset.done $0x0  }
0x4b: {  	[sflag:s30] =	ssyncadd.s32 $0xFFFFFF80  }
0x4c: {  	_ =	swait.ge [sflag:s30], $0x80  }
0x4d: {  	[sflag:s30] =	ssyncset.done $0x0  }
0x4e: {  	[sflag:s30] =	ssyncadd.s32 $0xFFFFFF80  }
0x4f: {  	_ =	swait.ge [sflag:s30], $0x80  }
0x50: {  	[sflag:s30] =	ssyncset.done $0x0  }
0x51: {  	[sflag:s30] =	ssyncadd.s32 $0xFFFFFF80  }
0x52: {  	_ =	swait.ge [sflag:s30], $0x80  }
0x53: {  	[sflag:s30] =	ssyncset.done $0x0  }
0x54: {  	[sflag:s30] =	ssyncadd.s32 $0xFFFFFF80  }
0x55: {  	_ =	swait.ge [sflag:s30], $0x80  }
0x56: {  	[sflag:s30] =	ssyncset.done $0x0  }
0x57: {  	[sflag:s30] =	ssyncadd.s32 $0xFFFFFF80  }
0x58: {  	_ =	swait.ge [sflag:s30], $0x80  }
0x59: {  	[sflag:s30] =	ssyncset.done $0x0  }
0x5a: {  	[sflag:s30] =	ssyncadd.s32 $0xFFFFFF80  }
0x5b: {  	_ =	swait.ge [sflag:s30], $0x80  }
0x5c: {  	[sflag:s30] =	ssyncset.done $0x0  }
0x5d: {  	[sflag:s30] =	ssyncadd.s32 $0xFFFFFF80  }
0x5e: {  	_ =	swait.ge [sflag:s30], $0x40  }
0x5f: {  	[sflag:s30] =	ssyncset.done $0x0  }
0x60: {  	[sflag:s30] =	ssyncadd.s32 $0xFFFFFFC0  }
0x61: {  	_ =	swait.ge [sflag:s30], $0x20  }
0x62: {  	[sflag:s30] =	ssyncset.done $0x0  }
0x63: {  	[sflag:s30] =	ssyncadd.s32 $0xFFFFFFE0  }
0x64: {  	_ =	swait.ge [sflag:s30], $0x20  }
0x65: {  	[sflag:s30] =	ssyncset.done $0x0  }
0x66: {  	[sflag:s30] =	ssyncadd.s32 $0xFFFFFFE0  }
0x67: {  	v0 =	vld [tilespmem:$0x680]  }
0x68: {  	v1 =	vld [tilespmem:$0x690]  }
0x69: {  	v2 =	vld [tilespmem:$0x6A0]  }
0x6a: {  	v3 =	vld [tilespmem:$0x6B0]  }
0x6b: {  	v4 =	vld [tilespmem:$0x6C0]  }
0x6c: {  	v5 =	vld [tilespmem:$0x6D0];
	v0 =	vadd.f32 $0.0e+00, v0  }
0x6d: {  	v6 =	vld [tilespmem:$0x6E0];
	v1 =	vadd.f32 $0.0e+00, v1  }
0x6e: {  	v27 =	vld [tilespmem:$0x6F0];
	v0 =	vadd.f32 v2, v0  }
0x6f: {  	v7 =	vld [tilespmem:$0x700];
	v1 =	vadd.f32 v3, v1  }
0x70: {  	v28 =	vld [tilespmem:$0x710];
	v0 =	vadd.f32 v4, v0  }
0x71: {  	v29 =	vld [tilespmem:$0x720];
	v1 =	vadd.f32 v5, v1  }
0x72: {  	v30 =	vld [tilespmem:$0x730];
	v0 =	vadd.f32 v6, v0  }
0x73: {  	v31 =	vld [tilespmem:$0x740];
	v1 =	vadd.f32 v27, v1  }
0x74: {  	v32 =	vld [tilespmem:$0x750];
	v0 =	vadd.f32 v7, v0  }
0x75: {  	v33 =	vld [tilespmem:$0x760];
	v1 =	vadd.f32 v28, v1  }
0x76: {  	v34 =	vld [tilespmem:$0x770];
	v0 =	vadd.f32 v29, v0  }
0x77: {  	v35 =	vld [tilespmem:$0x780];
	v1 =	vadd.f32 v30, v1  }
0x78: {  	v36 =	vld [tilespmem:$0x790];
	v0 =	vadd.f32 v31, v0  }
0x79: {  	v37 =	vld [tilespmem:$0x7A0];
	v1 =	vadd.f32 v32, v1  }
0x7a: {  	v38 =	vld [tilespmem:$0x7B0];
	v0 =	vadd.f32 v33, v0  }
0x7b: {  	v39 =	vld [tilespmem:$0x7C0];
	v1 =	vadd.f32 v34, v1  }
0x7c: {  	v40 =	vld [tilespmem:$0x7D0];
	v0 =	vadd.f32 v35, v0  }
0x7d: {  	v41 =	vld [tilespmem:$0x7E0];
	v1 =	vadd.f32 v36, v1  }
0x7e: {  	v42 =	vld [tilespmem:$0x7F0];
	v0 =	vadd.f32 v37, v0  }
0x7f: {  	v43 =	vld [tilespmem:$0x800];
	v1 =	vadd.f32 v38, v1  }
0x80: {  	v44 =	vld [tilespmem:$0x810];
	v0 =	vadd.f32 v39, v0  }
0x81: {  	v45 =	vld [tilespmem:$0x820];
	v1 =	vadd.f32 v40, v1  }
0x82: {  	v46 =	vld [tilespmem:$0x830];
	v0 =	vadd.f32 v41, v0  }
0x83: {  	v47 =	vld [tilespmem:$0x840];
	v1 =	vadd.f32 v42, v1  }
0x84: {  	v48 =	vld [tilespmem:$0x850];
	v0 =	vadd.f32 v43, v0  }
0x85: {  	v49 =	vld [tilespmem:$0x860];
	v1 =	vadd.f32 v44, v1  }
0x86: {  	v50 =	vld [tilespmem:$0x870];
	v0 =	vadd.f32 v45, v0  }
0x87: {  	v51 =	vld [tilespmem:$0x880];
	v1 =	vadd.f32 v46, v1  }
0x88: {  	v52 =	vld [tilespmem:$0x890];
	v0 =	vadd.f32 v47, v0  }
0x89: {  	v53 =	vld [tilespmem:$0x8A0];
	v1 =	vadd.f32 v48, v1  }
0x8a: {  	v54 =	vld [tilespmem:$0x8B0];
	v0 =	vadd.f32 v49, v0  }
0x8b: {  	v55 =	vld [tilespmem:$0x8C0];
	v1 =	vadd.f32 v50, v1  }
0x8c: {  	v56 =	vld [tilespmem:$0x8D0];
	v0 =	vadd.f32 v51, v0  }
0x8d: {  	v57 =	vld [tilespmem:$0x8E0];
	v1 =	vadd.f32 v52, v1  }
0x8e: {  	v58 =	vld [tilespmem:$0x8F0];
	v0 =	vadd.f32 v53, v0  }
0x8f: {  	v59 =	vld [tilespmem:$0x900];
	v1 =	vadd.f32 v54, v1  }
0x90: {  	v60 =	vld [tilespmem:$0x910];
	v0 =	vadd.f32 v55, v0  }
0x91: {  	v61 =	vld [tilespmem:$0x920];
	v1 =	vadd.f32 v56, v1  }
0x92: {  	v62 =	vld [tilespmem:$0x930];
	v0 =	vadd.f32 v57, v0  }
0x93: {  	v63 =	vld [tilespmem:$0x940];
	v1 =	vadd.f32 v58, v1  }
0x94: {  	v9 =	vld [tilespmem:$0x950];
	v0 =	vadd.f32 v59, v0  }
0x95: {  	v10 =	vld [tilespmem:$0x960];
	v1 =	vadd.f32 v60, v1  }
0x96: {  	v11 =	vld [tilespmem:$0x970];
	v0 =	vadd.f32 v61, v0  }
0x97: {  	v12 =	vld [tilespmem:$0x980];
	v1 =	vadd.f32 v62, v1  }
0x98: {  	v13 =	vld [tilespmem:$0x990];
	v0 =	vadd.f32 v63, v0  }
0x99: {  	v14 =	vld [tilespmem:$0x9A0];
	v1 =	vadd.f32 v9, v1  }
0x9a: {  	v15 =	vld [tilespmem:$0x9B0];
	v0 =	vadd.f32 v10, v0  }
0x9b: {  	v16 =	vld [tilespmem:$0x9C0];
	v1 =	vadd.f32 v11, v1  }
0x9c: {  	v17 =	vld [tilespmem:$0x9D0];
	v0 =	vadd.f32 v12, v0  }
0x9d: {  	v18 =	vld [tilespmem:$0x9E0];
	v1 =	vadd.f32 v13, v1  }
0x9e: {  	v19 =	vld [tilespmem:$0x9F0];
	v0 =	vadd.f32 v14, v0  }
0x9f: {  	v20 =	vld [tilespmem:$0xA00];
	v1 =	vadd.f32 v15, v1  }
0xa0: {  	v21 =	vld [tilespmem:$0xA10];
	v0 =	vadd.f32 v16, v0  }
0xa1: {  	v22 =	vld [tilespmem:$0xA20];
	v1 =	vadd.f32 v17, v1  }
0xa2: {  	v23 =	vld [tilespmem:$0xA30];
	v0 =	vadd.f32 v18, v0  }
0xa3: {  	v24 =	vld [tilespmem:$0xA40];
	v1 =	vadd.f32 v19, v1  }
0xa4: {  	v25 =	vld [tilespmem:$0xA50];
	v0 =	vadd.f32 v20, v0  }
0xa5: {  	v26 =	vld [tilespmem:$0xA60];
	v1 =	vadd.f32 v21, v1  }
0xa6: {  	v27 =	vld [tilespmem:$0xA70];
	v0 =	vadd.f32 v22, v0  }
0xa7: {  	v28 =	vld [tilespmem:$0xA80];
	v1 =	vadd.f32 v23, v1  }
0xa8: {  	v29 =	vld [tilespmem:$0xA90];
	v0 =	vadd.f32 v24, v0  }
0xa9: {  	v30 =	vld [tilespmem:$0xAA0];
	v1 =	vadd.f32 v25, v1  }
0xaa: {  	v31 =	vld [tilespmem:$0xAB0];
	v0 =	vadd.f32 v26, v0  }
0xab: {  	v32 =	vld [tilespmem:$0xAC0];
	v1 =	vadd.f32 v27, v1  }
0xac: {  	v33 =	vld [tilespmem:$0xAD0];
	v0 =	vadd.f32 v28, v0  }
0xad: {  	v34 =	vld [tilespmem:$0xAE0];
	v1 =	vadd.f32 v29, v1  }
0xae: {  	v35 =	vld [tilespmem:$0xAF0];
	v0 =	vadd.f32 v30, v0  }
0xaf: {  	v36 =	vld [tilespmem:$0xB00];
	v1 =	vadd.f32 v31, v1  }
0xb0: {  	v37 =	vld [tilespmem:$0xB10];
	v0 =	vadd.f32 v32, v0  }
0xb1: {  	v38 =	vld [tilespmem:$0xB20];
	v1 =	vadd.f32 v33, v1  }
0xb2: {  	v39 =	vld [tilespmem:$0xB30];
	v0 =	vadd.f32 v34, v0  }
0xb3: {  	v40 =	vld [tilespmem:$0xB40];
	v1 =	vadd.f32 v35, v1  }
0xb4: {  	v41 =	vld [tilespmem:$0xB50];
	v0 =	vadd.f32 v36, v0  }
0xb5: {  	v42 =	vld [tilespmem:$0xB60];
	v1 =	vadd.f32 v37, v1  }
0xb6: {  	v43 =	vld [tilespmem:$0xB70];
	v0 =	vadd.f32 v38, v0  }
0xb7: {  	v44 =	vld [tilespmem:$0xB80];
	v1 =	vadd.f32 v39, v1  }
0xb8: {  	v45 =	vld [tilespmem:$0xB90];
	v0 =	vadd.f32 v40, v0  }
0xb9: {  	v46 =	vld [tilespmem:$0xBA0];
	v1 =	vadd.f32 v41, v1  }
0xba: {  	v47 =	vld [tilespmem:$0xBB0];
	v0 =	vadd.f32 v42, v0  }
0xbb: {  	v48 =	vld [tilespmem:$0xBC0];
	v1 =	vadd.f32 v43, v1  }
0xbc: {  	v49 =	vld [tilespmem:$0xBD0];
	v0 =	vadd.f32 v44, v0  }
0xbd: {  	v50 =	vld [tilespmem:$0xBE0];
	v1 =	vadd.f32 v45, v1  }
0xbe: {  	v51 =	vld [tilespmem:$0xBF0];
	v0 =	vadd.f32 v46, v0  }
0xbf: {  	v52 =	vld [tilespmem:$0xC00];
	v1 =	vadd.f32 v47, v1  }
0xc0: {  	v53 =	vld [tilespmem:$0xC10];
	v0 =	vadd.f32 v48, v0  }
0xc1: {  	v54 =	vld [tilespmem:$0xC20];
	v1 =	vadd.f32 v49, v1  }
0xc2: {  	v55 =	vld [tilespmem:$0xC30];
	v0 =	vadd.f32 v50, v0  }
0xc3: {  	v56 =	vld [tilespmem:$0xC40];
	v1 =	vadd.f32 v51, v1  }
0xc4: {  	v57 =	vld [tilespmem:$0xC50];
	v0 =	vadd.f32 v52, v0  }
0xc5: {  	v58 =	vld [tilespmem:$0xC60];
	v1 =	vadd.f32 v53, v1  }
0xc6: {  	v59 =	vld [tilespmem:$0xC70];
	v0 =	vadd.f32 v54, v0  }
0xc7: {  	v60 =	vld [tilespmem:$0xC80];
	v1 =	vadd.f32 v55, v1  }
0xc8: {  	v61 =	vld [tilespmem:$0xC90];
	v0 =	vadd.f32 v56, v0  }
0xc9: {  	v62 =	vld [tilespmem:$0xCA0];
	v1 =	vadd.f32 v57, v1  }
0xca: {  	v63 =	vld [tilespmem:$0xCB0];
	v0 =	vadd.f32 v58, v0  }
0xcb: {  	v1 =	vadd.f32 v59, v1  }
0xcc: {  	v0 =	vadd.f32 v60, v0  }
0xcd: {  	v1 =	vadd.f32 v61, v1  }
0xce: {  	s7 =	ssub.s32 $0x2, s1;
	v0 =	vadd.f32 v62, v0  }
0xcf: {  	s1 =	sshrl.u32 s7, $0x1;
	v1 =	vadd.f32 v63, v1  }
0xd0: {  	s0 =	ssub.s32 s7, s1;
	[tilespmem:$0xD80] =	vst v0  }
0xd1: {  	s31 =	simm.s32 $0xD80;
	s0 =	smax.u32 s0, $0x1;
	s6 =	rddreg [dreg:$0x8];
	[tilespmem:$0xD90] =	vst v1  }
0xd2: {  	[hbm4b:s6+s2] =	stream.linear.scatter [tilespmem:s31], [sflag:$0x2], $0x20, $0x38;
	[tilespmem:$0xF00] =	vst v63  }
0xd3: {  	p0 =	sne.s32 s0, $0x1;
	_ =	swait.ge [sflag:s3], $0x20  }
.Ltmp0:
0xd4: {  	[sflag:s3] =	ssyncset.done $0x0;
	(pc) =	sbr.rel @!p0 .LBB2_2-.Ltmp0, $4  }
0xd5: {  	s8 =	rddreg [dreg:$0x9];
	[sflag:s3] =	ssyncadd.s32 $0xFFFFFFE0  }
0xd6: {  	[hbm4b:s8+s2] =	stream.linear.scatter [tilespmem:s28], [sflag:$0x2], $0x20, $0x38;
	[tilespmem:$0xF00] =	vst v63  }
0xd7: {  	_ =	swait.ge [sflag:s3], $0x20  }
0xd8: {  	s1 =	sadd.s32 $0xFFFFFFFF, s0;
	[sflag:s3] =	ssyncset.done $0x0;
	s0 =	rddreg [dreg:$0xa]  }
.LBB2_1:
0xd9: {  	[sflag:s3] =	ssyncadd.s32 $0xFFFFFFE0  }
0xda: {  	[hbm4b:s0+s2] =	stream.linear.scatter [tilespmem:s29], [sflag:$0x2], $0x20, $0x38;
	[tilespmem:$0xF00] =	vst v63  }
0xdb: {  	_ =	swait.ge [sflag:s3], $0x20  }
0xdc: {  	[sflag:s3] =	ssyncset.done $0x0  }
0xdd: {  	s8 =	rddreg [dreg:$0x6];
	[sflag:s3] =	ssyncadd.s32 $0xFFFFFFE0  }
0xde: {  	[tilespmem:s2], [sflag:$0x2] =	stream.linear.gather [hbm4b:s8+s2], $0x640, $0x38;
	[tilespmem:$0xF00] =	vst v63  }
0xdf: {  	_ =	swait.ge [sflag:s3], $0x640  }
0xe0: {  	s0 =	rddreg [dreg:$0xb]  }
0xe1: {  	[sflag:s3] =	ssyncset.done $0x0;
	s6 =	rddreg [dreg:$0xc]  }
0xe2: {  	s7 =	rddreg [dreg:$0xe];
	[sflag:s3] =	ssyncadd.s32 $0xFFFFF9C0  }
0xe3: {  	[tilespmem:s0], [sflag:$0x1] =	stream.indirect.gather [hbm4b:s4+s5], $0x1, s2, s5, $0xb8;
	[tilespmem:$0xF00] =	vst v63  }
0xe4: {  	s8 =	rddreg [dreg:$0xd]  }
0xe5: {  	[tilespmem:s6], [sflag:$0x1] =	stream.indirect.gather [hbm4b:s4+s5], $0x1, s5, s5, $0xb8;
	[tilespmem:$0xF00] =	vst v63  }
0xe6: {  	s0 =	rddreg [dreg:$0xf]  }
0xe7: {  	[tilespmem:s7], [sflag:$0x1] =	stream.indirect.gather [hbm4b:s4+s5], $0x1, s8, s5, $0xb8;
	[tilespmem:$0xF00] =	vst v63  }
0xe8: {  	s6 =	rddreg [dreg:$0x10]  }
0xe9: {  	[tilespmem:s6], [sflag:$0x1] =	stream.indirect.gather [hbm4b:s4+s5], $0x1, s0, s5, $0xb8;
	[tilespmem:$0xF00] =	vst v63  }
0xea: {  	s7 =	simm.s32 $0x880;
	s6 =	simm.s32 $0x200  }
0xeb: {  	[tilespmem:s7], [sflag:$0x1] =	stream.indirect.gather [hbm4b:s4+s5], $0x1, s6, s5, $0xb8;
	[tilespmem:$0xF00] =	vst v63  }
0xec: {  	s8 =	simm.s32 $0x280  }
0xed: {  	[tilespmem:s9], [sflag:$0x1] =	stream.indirect.gather [hbm4b:s4+s5], $0x1, s8, s5, $0xb8;
	[tilespmem:$0xF00] =	vst v63  }
0xee: {  	_ = 	snop  }
0xef: {  	[tilespmem:s11], [sflag:$0x1] =	stream.indirect.gather [hbm4b:s4+s5], $0x1, s10, s5, $0xb8;
	[tilespmem:$0xF00] =	vst v63  }
0xf0: {  	_ = 	snop  }
0xf1: {  	[tilespmem:s13], [sflag:$0x1] =	stream.indirect.gather [hbm4b:s4+s5], $0x1, s12, s5, $0xb8;
	[tilespmem:$0xF00] =	vst v63  }
0xf2: {  	_ = 	snop  }
0xf3: {  	[tilespmem:s15], [sflag:$0x1] =	stream.indirect.gather [hbm4b:s4+s5], $0x1, s14, s5, $0xb8;
	[tilespmem:$0xF00] =	vst v63  }
0xf4: {  	_ = 	snop  }
0xf5: {  	[tilespmem:s17], [sflag:$0x1] =	stream.indirect.gather [hbm4b:s4+s5], $0x1, s16, s5, $0xb8;
	[tilespmem:$0xF00] =	vst v63  }
0xf6: {  	_ = 	snop  }
0xf7: {  	[tilespmem:s19], [sflag:$0x1] =	stream.indirect.gather [hbm4b:s4+s5], $0x1, s18, s5, $0xb8;
	[tilespmem:$0xF00] =	vst v63  }
0xf8: {  	_ = 	snop  }
0xf9: {  	[tilespmem:s21], [sflag:$0x1] =	stream.indirect.gather [hbm4b:s4+s5], $0x1, s20, s5, $0xb8;
	[tilespmem:$0xF00] =	vst v63  }
0xfa: {  	_ = 	snop  }
0xfb: {  	[tilespmem:s24], [sflag:$0x1] =	stream.indirect.gather [hbm4b:s4+s22], $0x1, s23, s22, $0xb8;
	[tilespmem:$0xF00] =	vst v63  }
0xfc: {  	s6 =	rddreg [dreg:$0x7]  }
0xfd: {  	[tilespmem:s25], [sflag:$0x2] =	stream.linear.gather [hbm4b:s6+s2], $0x20, $0x38;
	[tilespmem:$0xF00] =	vst v63  }
0xfe: {  	_ =	swait.ge [sflag:s3], $0x20  }
0xff: {  	[sflag:s3] =	ssyncset.done $0x0  }
0x100: {  	s7 =	rddreg [dreg:$0x4];
	[sflag:s3] =	ssyncadd.s32 $0xFFFFFFE0  }
0x101: {  	[tilespmem:s28], [sflag:$0x1] =	stream.indirect.gather [hbm4b:s7+s26], $0x1, s25, s26, $0xb8;
	[tilespmem:$0xF00] =	vst v63  }
0x102: {  	s8 =	rddreg [dreg:$0x5]  }
0x103: {  	[tilespmem:s29], [sflag:$0x1] =	stream.indirect.gather [hbm4b:s8+s26], $0x1, s25, s26, $0xb8;
	[tilespmem:$0xF00] =	vst v63  }
0x104: {  	_ =	swait.ge [sflag:s30], $0x80  }
0x105: {  	[sflag:s30] =	ssyncset.done $0x0  }
0x106: {  	[sflag:s30] =	ssyncadd.s32 $0xFFFFFF80  }
0x107: {  	_ =	swait.ge [sflag:s30], $0x80  }
0x108: {  	[sflag:s30] =	ssyncset.done $0x0  }
0x109: {  	[sflag:s30] =	ssyncadd.s32 $0xFFFFFF80  }
0x10a: {  	_ =	swait.ge [sflag:s30], $0x80  }
0x10b: {  	[sflag:s30] =	ssyncset.done $0x0  }
0x10c: {  	[sflag:s30] =	ssyncadd.s32 $0xFFFFFF80  }
0x10d: {  	_ =	swait.ge [sflag:s30], $0x80  }
0x10e: {  	[sflag:s30] =	ssyncset.done $0x0  }
0x10f: {  	[sflag:s30] =	ssyncadd.s32 $0xFFFFFF80  }
0x110: {  	_ =	swait.ge [sflag:s30], $0x80  }
0x111: {  	[sflag:s30] =	ssyncset.done $0x0  }
0x112: {  	[sflag:s30] =	ssyncadd.s32 $0xFFFFFF80  }
0x113: {  	_ =	swait.ge [sflag:s30], $0x80  }
0x114: {  	[sflag:s30] =	ssyncset.done $0x0  }
0x115: {  	[sflag:s30] =	ssyncadd.s32 $0xFFFFFF80  }
0x116: {  	_ =	swait.ge [sflag:s30], $0x80  }
0x117: {  	[sflag:s30] =	ssyncset.done $0x0  }
0x118: {  	[sflag:s30] =	ssyncadd.s32 $0xFFFFFF80  }
0x119: {  	_ =	swait.ge [sflag:s30], $0x80  }
0x11a: {  	[sflag:s30] =	ssyncset.done $0x0  }
0x11b: {  	[sflag:s30] =	ssyncadd.s32 $0xFFFFFF80  }
0x11c: {  	_ =	swait.ge [sflag:s30], $0x80  }
0x11d: {  	[sflag:s30] =	ssyncset.done $0x0  }
0x11e: {  	[sflag:s30] =	ssyncadd.s32 $0xFFFFFF80  }
0x11f: {  	_ =	swait.ge [sflag:s30], $0x80  }
0x120: {  	[sflag:s30] =	ssyncset.done $0x0  }
0x121: {  	[sflag:s30] =	ssyncadd.s32 $0xFFFFFF80  }
0x122: {  	_ =	swait.ge [sflag:s30], $0x80  }
0x123: {  	[sflag:s30] =	ssyncset.done $0x0  }
0x124: {  	[sflag:s30] =	ssyncadd.s32 $0xFFFFFF80  }
0x125: {  	_ =	swait.ge [sflag:s30], $0x80  }
0x126: {  	[sflag:s30] =	ssyncset.done $0x0  }
0x127: {  	[sflag:s30] =	ssyncadd.s32 $0xFFFFFF80  }
0x128: {  	_ =	swait.ge [sflag:s30], $0x40  }
0x129: {  	[sflag:s30] =	ssyncset.done $0x0  }
0x12a: {  	[sflag:s30] =	ssyncadd.s32 $0xFFFFFFC0  }
0x12b: {  	_ =	swait.ge [sflag:s30], $0x20  }
0x12c: {  	[sflag:s30] =	ssyncset.done $0x0  }
0x12d: {  	[sflag:s30] =	ssyncadd.s32 $0xFFFFFFE0  }
0x12e: {  	_ =	swait.ge [sflag:s30], $0x20  }
0x12f: {  	[sflag:s30] =	ssyncset.done $0x0  }
0x130: {  	[sflag:s30] =	ssyncadd.s32 $0xFFFFFFE0  }
0x131: {  	v1 =	vld [tilespmem:$0x680]  }
0x132: {  	v2 =	vld [tilespmem:$0x690]  }
0x133: {  	v0 =	vld [tilespmem:$0x6A0]  }
0x134: {  	v3 =	vld [tilespmem:$0x6B0]  }
0x135: {  	v4 =	vld [tilespmem:$0x6C0]  }
0x136: {  	v5 =	vld [tilespmem:$0x6D0];
	v1 =	vadd.f32 $0.0e+00, v1  }
0x137: {  	v6 =	vld [tilespmem:$0x6E0];
	v2 =	vadd.f32 $0.0e+00, v2  }
0x138: {  	v27 =	vld [tilespmem:$0x6F0];
	v0 =	vadd.f32 v0, v1  }
0x139: {  	v7 =	vld [tilespmem:$0x700];
	v2 =	vadd.f32 v3, v2  }
0x13a: {  	v28 =	vld [tilespmem:$0x710];
	v0 =	vadd.f32 v4, v0  }
0x13b: {  	v29 =	vld [tilespmem:$0x720];
	v2 =	vadd.f32 v5, v2  }
0x13c: {  	v30 =	vld [tilespmem:$0x730];
	v0 =	vadd.f32 v6, v0  }
0x13d: {  	v31 =	vld [tilespmem:$0x740];
	v1 =	vadd.f32 v27, v2  }
0x13e: {  	v32 =	vld [tilespmem:$0x750];
	v0 =	vadd.f32 v7, v0  }
0x13f: {  	v33 =	vld [tilespmem:$0x760];
	v1 =	vadd.f32 v28, v1  }
0x140: {  	v34 =	vld [tilespmem:$0x770];
	v0 =	vadd.f32 v29, v0  }
0x141: {  	v35 =	vld [tilespmem:$0x780];
	v1 =	vadd.f32 v30, v1  }
0x142: {  	v36 =	vld [tilespmem:$0x790];
	v0 =	vadd.f32 v31, v0  }
0x143: {  	v37 =	vld [tilespmem:$0x7A0];
	v1 =	vadd.f32 v32, v1  }
0x144: {  	v38 =	vld [tilespmem:$0x7B0];
	v0 =	vadd.f32 v33, v0  }
0x145: {  	v39 =	vld [tilespmem:$0x7C0];
	v1 =	vadd.f32 v34, v1  }
0x146: {  	v40 =	vld [tilespmem:$0x7D0];
	v0 =	vadd.f32 v35, v0  }
0x147: {  	v41 =	vld [tilespmem:$0x7E0];
	v1 =	vadd.f32 v36, v1  }
0x148: {  	v42 =	vld [tilespmem:$0x7F0];
	v0 =	vadd.f32 v37, v0  }
0x149: {  	v43 =	vld [tilespmem:$0x800];
	v1 =	vadd.f32 v38, v1  }
0x14a: {  	v44 =	vld [tilespmem:$0x810];
	v0 =	vadd.f32 v39, v0  }
0x14b: {  	v45 =	vld [tilespmem:$0x820];
	v1 =	vadd.f32 v40, v1  }
0x14c: {  	v46 =	vld [tilespmem:$0x830];
	v0 =	vadd.f32 v41, v0  }
0x14d: {  	v47 =	vld [tilespmem:$0x840];
	v1 =	vadd.f32 v42, v1  }
0x14e: {  	v48 =	vld [tilespmem:$0x850];
	v0 =	vadd.f32 v43, v0  }
0x14f: {  	v49 =	vld [tilespmem:$0x860];
	v1 =	vadd.f32 v44, v1  }
0x150: {  	v50 =	vld [tilespmem:$0x870];
	v0 =	vadd.f32 v45, v0  }
0x151: {  	v51 =	vld [tilespmem:$0x880];
	v1 =	vadd.f32 v46, v1  }
0x152: {  	v52 =	vld [tilespmem:$0x890];
	v0 =	vadd.f32 v47, v0  }
0x153: {  	v53 =	vld [tilespmem:$0x8A0];
	v1 =	vadd.f32 v48, v1  }
0x154: {  	v54 =	vld [tilespmem:$0x8B0];
	v0 =	vadd.f32 v49, v0  }
0x155: {  	v55 =	vld [tilespmem:$0x8C0];
	v1 =	vadd.f32 v50, v1  }
0x156: {  	v56 =	vld [tilespmem:$0x8D0];
	v0 =	vadd.f32 v51, v0  }
0x157: {  	v57 =	vld [tilespmem:$0x8E0];
	v1 =	vadd.f32 v52, v1  }
0x158: {  	v58 =	vld [tilespmem:$0x8F0];
	v0 =	vadd.f32 v53, v0  }
0x159: {  	v59 =	vld [tilespmem:$0x900];
	v1 =	vadd.f32 v54, v1  }
0x15a: {  	v60 =	vld [tilespmem:$0x910];
	v0 =	vadd.f32 v55, v0  }
0x15b: {  	v61 =	vld [tilespmem:$0x920];
	v1 =	vadd.f32 v56, v1  }
0x15c: {  	v62 =	vld [tilespmem:$0x930];
	v0 =	vadd.f32 v57, v0  }
0x15d: {  	v63 =	vld [tilespmem:$0x940];
	v1 =	vadd.f32 v58, v1  }
0x15e: {  	v9 =	vld [tilespmem:$0x950];
	v0 =	vadd.f32 v59, v0  }
0x15f: {  	v10 =	vld [tilespmem:$0x960];
	v1 =	vadd.f32 v60, v1  }
0x160: {  	v11 =	vld [tilespmem:$0x970];
	v0 =	vadd.f32 v61, v0  }
0x161: {  	v12 =	vld [tilespmem:$0x980];
	v1 =	vadd.f32 v62, v1  }
0x162: {  	v13 =	vld [tilespmem:$0x990];
	v0 =	vadd.f32 v63, v0  }
0x163: {  	v14 =	vld [tilespmem:$0x9A0];
	v1 =	vadd.f32 v9, v1  }
0x164: {  	v15 =	vld [tilespmem:$0x9B0];
	v0 =	vadd.f32 v10, v0  }
0x165: {  	v16 =	vld [tilespmem:$0x9C0];
	v1 =	vadd.f32 v11, v1  }
0x166: {  	v17 =	vld [tilespmem:$0x9D0];
	v0 =	vadd.f32 v12, v0  }
0x167: {  	v18 =	vld [tilespmem:$0x9E0];
	v1 =	vadd.f32 v13, v1  }
0x168: {  	v19 =	vld [tilespmem:$0x9F0];
	v0 =	vadd.f32 v14, v0  }
0x169: {  	v20 =	vld [tilespmem:$0xA00];
	v1 =	vadd.f32 v15, v1  }
0x16a: {  	v21 =	vld [tilespmem:$0xA10];
	v0 =	vadd.f32 v16, v0  }
0x16b: {  	v22 =	vld [tilespmem:$0xA20];
	v1 =	vadd.f32 v17, v1  }
0x16c: {  	v23 =	vld [tilespmem:$0xA30];
	v0 =	vadd.f32 v18, v0  }
0x16d: {  	v24 =	vld [tilespmem:$0xA40];
	v1 =	vadd.f32 v19, v1  }
0x16e: {  	v25 =	vld [tilespmem:$0xA50];
	v0 =	vadd.f32 v20, v0  }
0x16f: {  	v26 =	vld [tilespmem:$0xA60];
	v1 =	vadd.f32 v21, v1  }
0x170: {  	v27 =	vld [tilespmem:$0xA70];
	v0 =	vadd.f32 v22, v0  }
0x171: {  	v28 =	vld [tilespmem:$0xA80];
	v1 =	vadd.f32 v23, v1  }
0x172: {  	v29 =	vld [tilespmem:$0xA90];
	v0 =	vadd.f32 v24, v0  }
0x173: {  	v30 =	vld [tilespmem:$0xAA0];
	v1 =	vadd.f32 v25, v1  }
0x174: {  	v31 =	vld [tilespmem:$0xAB0];
	v0 =	vadd.f32 v26, v0  }
0x175: {  	v32 =	vld [tilespmem:$0xAC0];
	v1 =	vadd.f32 v27, v1  }
0x176: {  	v33 =	vld [tilespmem:$0xAD0];
	v0 =	vadd.f32 v28, v0  }
0x177: {  	v34 =	vld [tilespmem:$0xAE0];
	v1 =	vadd.f32 v29, v1  }
0x178: {  	v35 =	vld [tilespmem:$0xAF0];
	v0 =	vadd.f32 v30, v0  }
0x179: {  	v36 =	vld [tilespmem:$0xB00];
	v1 =	vadd.f32 v31, v1  }
0x17a: {  	v37 =	vld [tilespmem:$0xB10];
	v0 =	vadd.f32 v32, v0  }
0x17b: {  	v38 =	vld [tilespmem:$0xB20];
	v1 =	vadd.f32 v33, v1  }
0x17c: {  	v39 =	vld [tilespmem:$0xB30];
	v0 =	vadd.f32 v34, v0  }
0x17d: {  	v40 =	vld [tilespmem:$0xB40];
	v1 =	vadd.f32 v35, v1  }
0x17e: {  	v41 =	vld [tilespmem:$0xB50];
	v0 =	vadd.f32 v36, v0  }
0x17f: {  	v42 =	vld [tilespmem:$0xB60];
	v1 =	vadd.f32 v37, v1  }
0x180: {  	v43 =	vld [tilespmem:$0xB70];
	v0 =	vadd.f32 v38, v0  }
0x181: {  	v44 =	vld [tilespmem:$0xB80];
	v1 =	vadd.f32 v39, v1  }
0x182: {  	v45 =	vld [tilespmem:$0xB90];
	v0 =	vadd.f32 v40, v0  }
0x183: {  	v46 =	vld [tilespmem:$0xBA0];
	v1 =	vadd.f32 v41, v1  }
0x184: {  	v47 =	vld [tilespmem:$0xBB0];
	v0 =	vadd.f32 v42, v0  }
0x185: {  	v48 =	vld [tilespmem:$0xBC0];
	v1 =	vadd.f32 v43, v1  }
0x186: {  	v49 =	vld [tilespmem:$0xBD0];
	v0 =	vadd.f32 v44, v0  }
0x187: {  	v50 =	vld [tilespmem:$0xBE0];
	v1 =	vadd.f32 v45, v1  }
0x188: {  	v51 =	vld [tilespmem:$0xBF0];
	v0 =	vadd.f32 v46, v0  }
0x189: {  	v52 =	vld [tilespmem:$0xC00];
	v1 =	vadd.f32 v47, v1  }
0x18a: {  	v53 =	vld [tilespmem:$0xC10];
	v0 =	vadd.f32 v48, v0  }
0x18b: {  	v54 =	vld [tilespmem:$0xC20];
	v1 =	vadd.f32 v49, v1  }
0x18c: {  	v55 =	vld [tilespmem:$0xC30];
	v0 =	vadd.f32 v50, v0  }
0x18d: {  	v56 =	vld [tilespmem:$0xC40];
	v1 =	vadd.f32 v51, v1  }
0x18e: {  	v57 =	vld [tilespmem:$0xC50];
	v0 =	vadd.f32 v52, v0  }
0x18f: {  	v58 =	vld [tilespmem:$0xC60];
	v1 =	vadd.f32 v53, v1  }
0x190: {  	v59 =	vld [tilespmem:$0xC70];
	v0 =	vadd.f32 v54, v0  }
0x191: {  	v60 =	vld [tilespmem:$0xC80];
	v1 =	vadd.f32 v55, v1  }
0x192: {  	v61 =	vld [tilespmem:$0xC90];
	v0 =	vadd.f32 v56, v0  }
0x193: {  	v62 =	vld [tilespmem:$0xCA0];
	v1 =	vadd.f32 v57, v1  }
0x194: {  	v63 =	vld [tilespmem:$0xCB0];
	v0 =	vadd.f32 v58, v0  }
0x195: {  	v1 =	vadd.f32 v59, v1  }
0x196: {  	v0 =	vadd.f32 v60, v0  }
0x197: {  	v1 =	vadd.f32 v61, v1  }
0x198: {  	v0 =	vadd.f32 v62, v0  }
0x199: {  	v1 =	vadd.f32 v63, v1  }
0x19a: {  	[tilespmem:$0xD80] =	vst v0  }
0x19b: {  	s7 =	rddreg [dreg:$0x8];
	[tilespmem:$0xD90] =	vst v1  }
0x19c: {  	[hbm4b:s7+s2] =	stream.linear.scatter [tilespmem:s31], [sflag:$0x2], $0x20, $0x38;
	[tilespmem:$0xF00] =	vst v63  }
0x19d: {  	p0 =	sne.s32 s1, $0x1;
	_ =	swait.ge [sflag:s3], $0x20  }
.Ltmp1:
0x19e: {  	[sflag:s3] =	ssyncset.done $0x0;
	(pc) =	sbr.rel @p0 .LBB2_1-.Ltmp1, $4  }
0x19f: {  	s8 =	rddreg [dreg:$0x9];
	[sflag:s3] =	ssyncadd.s32 $0xFFFFFFE0  }
0x1a0: {  	[hbm4b:s8+s2] =	stream.linear.scatter [tilespmem:s28], [sflag:$0x2], $0x20, $0x38;
	[tilespmem:$0xF00] =	vst v63  }
0x1a1: {  	_ =	swait.ge [sflag:s3], $0x20  }
0x1a2: {  	s1 =	sadd.s32 $0xFFFFFFFF, s1;
	s0 =	rddreg [dreg:$0xa];
	[sflag:s3] =	ssyncset.done $0x0  }
.LBB2_2:
0x1a3: {  	[sflag:s3] =	ssyncadd.s32 $0xFFFFFFE0  }
0x1a4: {  	[hbm4b:s0+s2] =	stream.linear.scatter [tilespmem:s29], [sflag:$0x2], $0x20, $0x38;
	[tilespmem:$0xF00] =	vst v63  }
0x1a5: {  	_ =	swait.ge [sflag:s3], $0x20  }
0x1a6: {  	[sflag:s3] =	ssyncset.done $0x0  }
0x1a7: {  	[sflag:s3] =	ssyncadd.s32 $0xFFFFFFE0  }
0x1a8: {  	_ =	sfence.sel $0x180000  }
0x1a9: {  	[bflag:$0x0] =	sbarrier.arrive $0xFFFF  }
0x1aa: {  	_ =	strace $0x90000047  }
0x1ab: {  	s31 =	stileid.u32;
	[bflag:$0x2] =	sbarrier.arrive $0xFFFF  }
0x1ac: {  	p0 =	sne.s32 s31, $0x0;
	s0 =	rddreg [dreg:$0x3]  }
0x1ad: {  	s0 =	sadd.s32 @!p0 $0x100000, s0  }
0x1ae: {  	[sflag:s0] =	ssyncadd.tile.s32 @!p0 $0x1;
	_ =	shalt  }
.Lfunc_end2:
_tile_overlayer_lowered:
.L_overlay_start_2:
0x1af: {  	(tag) =	ssettag $0x2  }
0x1b0: {  	s0 =	rddreg [dreg:$0x0];
	s2 =	stileid.u32  }
0x1b1: {  	s1 =	rddreg [dreg:$0x1];
	p0 =	sne.s32 s2, $0x0  }
0x1b2: {  	s3 =	rddreg [dreg:$0x2];
	[bflag:$0x3] =	sbarrier.arrive $0xFFFF;
	s2 =	simm.s32 @!p0 $0x1C02  }
0x1b3: {  	[timem:s3], [sflag:s2] =	dma.local @!p0 [hbm:s0], s1  }
0x1b4: {  	s0 =	simm.s32 @!p0 $0x2  }
0x1b5: {  	_ =	swait.ge @!p0 [sflag:s0], s1  }
0x1b6: {  	s1 =	ssub.s32 @!p0 $0x0, s1;
	[sflag:s0] =	ssyncset.done @!p0 $0x0  }
0x1b7: {  	[sflag:s0] =	ssyncadd.s32 @!p0 s1  }
0x1b8: {  	[bflag:$0x3] =	sbarrier.arrive $0xFFFF  }
0x1b9: {  	_ =	shalt  }

</sc_bundles>
